<compile_context>
chip_gen: v7x
topology: tpu7x:2x2x1
jax: 0.10.2.dev20260603
libtpu: 0.0.44.dev20260713+nightly
codegen_flags: <defaults>
</compile_context>

<pallas_src>
import functools

import jax
import jax.numpy as jnp
from jax import lax
from jax.experimental import pallas as pl
from jax.experimental.pallas import tpu as pltpu
from jax.experimental.pallas import tpu_sc as plsc

BATCH = 4096
SEQ = 200
WORD_D = 64
POS_D = 32
OUT_D = WORD_D + 2 * POS_D
N_TOK = BATCH * SEQ
N_POS = 200
P_ROWS = N_POS + 1

_INFO = plsc.get_sparse_core_info()
NC = _INFO.num_cores
NS = _INFO.num_subcores
NW = NC * NS
L = _INFO.num_lanes

TPW = N_TOK // NW
IDX_W = 128
CHUNK = 256
ROWS = CHUNK // IDX_W
N_CHUNK = TPW // CHUNK
ROWS_PW = TPW // IDX_W


def _embed_body(w_idx, p1_idx, p2_idx, wtab, ptab, out,
                widx_v, p1idx_v, p2idx_v, fidx_v, wrows, prows,
                isem0, isem1, gsem0, gsem1, wsem0, wsem1):
    c = lax.axis_index("c")
    s = lax.axis_index("s")
    wid = s * NC + c
    row_base = wid * ROWS_PW
    isem = (isem0, isem1)
    gsem = (gsem0, gsem1)
    wsem = (wsem0, wsem1)

    def idx_copies(g, b):
        r = pl.ds(row_base + g * ROWS, ROWS)
        return [
            pltpu.make_async_copy(w_idx.at[r], widx_v.at[b], isem[b]),
            pltpu.make_async_copy(p1_idx.at[r], p1idx_v.at[b], isem[b]),
            pltpu.make_async_copy(p2_idx.at[r], p2idx_v.at[b], isem[b]),
        ]

    def fuse_idx(b):
        for j in range(ROWS):
            for i in range(IDX_W // L):
                sl = pl.ds(i * L, L)
                p1 = p1idx_v[b, j, sl]
                p2 = p2idx_v[b, j, sl]
                fidx_v[b, j, sl] = p1 * P_ROWS + p2

    def gather_copies(b):
        cps = []
        for j in range(ROWS):
            r = pl.ds(j * IDX_W, IDX_W)
            cps.append(pltpu.make_async_copy(
                wtab.at[widx_v.at[b, j]], wrows.at[b, r], gsem[b]))
            cps.append(pltpu.make_async_copy(
                ptab.at[fidx_v.at[b, j]], prows.at[b, r], gsem[b]))
        return cps

    def write_copies(g, b):
        base = (row_base + g * ROWS) * IDX_W
        return [
            pltpu.make_async_copy(
                wrows.at[b],
                out.at[pl.ds(base, CHUNK), pl.ds(0, WORD_D)], wsem[b]),
            pltpu.make_async_copy(
                prows.at[b],
                out.at[pl.ds(base, CHUNK), pl.ds(WORD_D, 2 * POS_D)],
                wsem[b]),
        ]

    for cp in idx_copies(0, 0):
        cp.start()
    K = N_CHUNK // 2

    def step(k, carry):
        for b in range(2):
            g = 2 * k + b

            @pl.when(k >= 1)
            def _():
                for cp in write_copies(g - 2, b):
                    cp.wait()

            for cp in idx_copies(g, b):
                cp.wait()
            fuse_idx(b)
            for cp in gather_copies(b):
                cp.start()

            bp = 1 - b
            if b == 0:
                @pl.when(k >= 1)
                def _():
                    for cp in gather_copies(bp):
                        cp.wait()
                    for cp in write_copies(2 * k - 1, bp):
                        cp.start()
                for cp in idx_copies(2 * k + 1, bp):
                    cp.start()
            else:
                for cp in gather_copies(bp):
                    cp.wait()
                for cp in write_copies(2 * k, bp):
                    cp.start()

                @pl.when(k < K - 1)
                def _():
                    for cp in idx_copies(2 * k + 2, bp):
                        cp.start()
        return carry

    lax.fori_loop(0, K, step, 0)

    last = N_CHUNK - 1
    for cp in gather_copies(1):
        cp.wait()
    for cp in write_copies(last, 1):
        cp.start()
    for cp in write_copies(last - 1, 0):
        cp.wait()
    for cp in write_copies(last, 1):
        cp.wait()


@functools.partial(
    pl.kernel,
    out_type=jax.ShapeDtypeStruct((N_TOK, OUT_D), jnp.float32),
    mesh=plsc.VectorSubcoreMesh(core_axis_name="c", subcore_axis_name="s"),
    compiler_params=pltpu.CompilerParams(use_tc_tiling_on_sc=False),
    scratch_types=[
        pltpu.VMEM((2, ROWS, IDX_W), jnp.int32),
        pltpu.VMEM((2, ROWS, IDX_W), jnp.int32),
        pltpu.VMEM((2, ROWS, IDX_W), jnp.int32),
        pltpu.VMEM((2, ROWS, IDX_W), jnp.int32),
        pltpu.VMEM((2, CHUNK, WORD_D), jnp.float32),
        pltpu.VMEM((2, CHUNK, 2 * POS_D), jnp.float32),
        pltpu.SemaphoreType.DMA,
        pltpu.SemaphoreType.DMA,
        pltpu.SemaphoreType.DMA,
        pltpu.SemaphoreType.DMA,
        pltpu.SemaphoreType.DMA,
        pltpu.SemaphoreType.DMA,
    ],
)
def _embed(*args):
    _embed_body(*args)


def kernel(inputs, pos1, pos2, word_table, pos1_table, pos2_table):
    w_idx = inputs.reshape(N_TOK // IDX_W, IDX_W)
    p1_idx = pos1.reshape(N_TOK // IDX_W, IDX_W)
    p2_idx = pos2.reshape(N_TOK // IDX_W, IDX_W)
    ptab = jnp.concatenate([
        jnp.broadcast_to(pos1_table[:, None, :], (P_ROWS, P_ROWS, POS_D)),
        jnp.broadcast_to(pos2_table[None, :, :], (P_ROWS, P_ROWS, POS_D)),
    ], axis=-1).reshape(P_ROWS * P_ROWS, 2 * POS_D)
    out = _embed(w_idx, p1_idx, p2_idx, word_table, ptab)
    return out.reshape(BATCH, SEQ, OUT_D)

# --- scband reference (transcript-rebuilt; emitter-appended) ---
"""Pipeline reference for scband-embedding-29549374996755 (READ-ONLY COPY).

The authoritative reference and input builder live on the scoring server;
editing this copy changes nothing except your own understanding.
"""

import jax, jax.numpy as jnp
import numpy as np

N_WORD = 1000000
N_POS = 200
INPUT_SIZE = 64
POS_SIZE = 32
BATCH = 4096
SEQ = 200


def setup_inputs(seed: int = 0) -> dict:
    key = jax.random.key(seed)
    k1, k2, k3, k4, k5, k6 = jax.random.split(key, 6)
    inputs = jax.random.randint(k1, (BATCH, SEQ), 0, N_WORD, dtype=jnp.int64 if jax.config.read('jax_enable_x64') else jnp.int32)
    pos1 = jax.random.randint(k2, (BATCH, SEQ), 0, N_POS, dtype=inputs.dtype)
    pos2 = jax.random.randint(k3, (BATCH, SEQ), 0, N_POS, dtype=inputs.dtype)
    # word embedding table: n_word + 2 rows, padding_idx = n_word + 1 (zero row)
    word_table = jax.random.normal(k4, (N_WORD + 2, INPUT_SIZE), dtype=jnp.float32)
    word_table = word_table.at[N_WORD + 1].set(0.0)
    # position embedding tables: n_pos + 1 rows, padding_idx = n_pos (zero row)
    pos1_table = jax.random.uniform(k5, (N_POS + 1, POS_SIZE), dtype=jnp.float32, minval=-0.1, maxval=0.1)
    pos1_table = pos1_table.at[N_POS].set(0.0)
    pos2_table = jax.random.uniform(k6, (N_POS + 1, POS_SIZE), dtype=jnp.float32, minval=-0.1, maxval=0.1)
    pos2_table = pos2_table.at[N_POS].set(0.0)
    return {
        'inputs': inputs,
        'pos1': pos1,
        'pos2': pos2,
        'word_table': word_table,
        'pos1_table': pos1_table,
        'pos2_table': pos2_table,
    }


def reference(inputs, pos1, pos2, word_table, pos1_table, pos2_table):
    embedded = jnp.take(word_table, inputs, axis=0)
    p1_embed = jnp.take(pos1_table, pos1, axis=0)
    p2_embed = jnp.take(pos2_table, pos2, axis=0)
    embedded = jnp.concatenate([embedded, p1_embed, p2_embed], axis=2)
    return embedded

if __name__ == "__main__":
    import jax
    _d = setup_inputs()
    print(jax.jit(kernel)(*tuple(_d.values())))

</pallas_src>

<mosaic_0001>
#map = affine_map<(d0, d1) -> (0, 0)>
module attributes {stable_mosaic.version = 14 : i64} {
  func.func @_embed(%arg0: i32, %arg1: i32, %arg2: memref<6400x128xi32, #tpu.memory_space<hbm>>, %arg3: memref<6400x128xi32, #tpu.memory_space<hbm>>, %arg4: memref<6400x128xi32, #tpu.memory_space<hbm>>, %arg5: memref<1000002x64xf32, #tpu.memory_space<hbm>>, %arg6: memref<40401x64xf32, #tpu.memory_space<hbm>>, %arg7: memref<819200x128xf32, #tpu.memory_space<hbm>>, %arg8: memref<2x2x128xi32, #tpu.memory_space<vmem>>, %arg9: memref<2x2x128xi32, #tpu.memory_space<vmem>>, %arg10: memref<2x2x128xi32, #tpu.memory_space<vmem>>, %arg11: memref<2x2x128xi32, #tpu.memory_space<vmem>>, %arg12: memref<2x256x64xf32, #tpu.memory_space<vmem>>, %arg13: memref<2x256x64xf32, #tpu.memory_space<vmem>>, %arg14: memref<!tpu.dma_semaphore, #tpu.memory_space<semaphore_mem>>, %arg15: memref<!tpu.dma_semaphore, #tpu.memory_space<semaphore_mem>>, %arg16: memref<!tpu.dma_semaphore, #tpu.memory_space<semaphore_mem>>, %arg17: memref<!tpu.dma_semaphore, #tpu.memory_space<semaphore_mem>>, %arg18: memref<!tpu.dma_semaphore, #tpu.memory_space<semaphore_mem>>, %arg19: memref<!tpu.dma_semaphore, #tpu.memory_space<semaphore_mem>>) attributes {dimension_semantics = [#tpu.dimension_semantics<core_parallel>, #tpu.dimension_semantics<subcore_parallel>], iteration_bounds = array<i64: 2, 16>, scalar_prefetch = 0 : i64, scratch_operands = 12 : i64, tpu.core_type = #tpu.core_type<sc_vector_subcore>, window_params = [{transform_indices = #map}, {transform_indices = #map}, {transform_indices = #map}, {transform_indices = #map}, {transform_indices = #map}, {transform_indices = #map}]} {
    %mul3A = arith.constant 2 : i32
    %mul3A_0 = arith.muli %arg1, %mul3A : i32
    %add3A = arith.addi %mul3A_0, %arg0 : i32
    %mul3A_1 = arith.constant 200 : i32
    %mul3A_2 = arith.muli %add3A, %mul3A_1 : i32
    %add3A_3 = arith.constant 0 : i32
    %add3A_4 = arith.addi %mul3A_2, %add3A_3 : i32
    %dma_start3A = arith.constant 0 : i32
    %dma_start3A_5 = arith.constant 0 : i32
    %dma_start3A_6 = arith.constant 0 : i32
    %dma_start3A_7 = tpu.memref_slice %arg8[%dma_start3A, %dma_start3A_5, %dma_start3A_6] : memref<2x2x128xi32, #tpu.memory_space<vmem>> -> memref<1x2x128xi32, #tpu.memory_space<vmem>>
    %dma_start3A_8 = tpu.memref_squeeze %dma_start3A_7 : memref<1x2x128xi32, #tpu.memory_space<vmem>> -> memref<2x128xi32, #tpu.memory_space<vmem>>
    %dma_start3A_9 = arith.constant 0 : i32
    %dma_start3A_10 = tpu.memref_slice %arg2[%add3A_4, %dma_start3A_9] : memref<6400x128xi32, #tpu.memory_space<hbm>> -> memref<2x128xi32, #tpu.memory_space<hbm>>
    %dma_start3A_11 = arith.constant 0 : i32
    %dma_start3A_12 = arith.constant 0 : i32
    %dma_start3A_13 = tpu.memref_slice %arg8[%dma_start3A, %dma_start3A_11, %dma_start3A_12] : memref<2x2x128xi32, #tpu.memory_space<vmem>> -> memref<1x2x128xi32, #tpu.memory_space<vmem>>
    %dma_start3A_14 = tpu.memref_squeeze %dma_start3A_13 : memref<1x2x128xi32, #tpu.memory_space<vmem>> -> memref<2x128xi32, #tpu.memory_space<vmem>>
    %dma_start3A_15 = arith.constant 0 : i32
    %dma_start3A_16 = tpu.memref_slice %arg2[%add3A_4, %dma_start3A_15] : memref<6400x128xi32, #tpu.memory_space<hbm>> -> memref<2x128xi32, #tpu.memory_space<hbm>>
    tpu.enqueue_dma source(%dma_start3A_16 : memref<2x128xi32, #tpu.memory_space<hbm>>) target(%dma_start3A_14 : memref<2x128xi32, #tpu.memory_space<vmem>>) target_semaphore(%arg14 : memref<!tpu.dma_semaphore, #tpu.memory_space<semaphore_mem>>)
    %dma_start3A_17 = arith.constant 0 : i32
    %dma_start3A_18 = arith.constant 0 : i32
    %dma_start3A_19 = arith.constant 0 : i32
    %dma_start3A_20 = tpu.memref_slice %arg9[%dma_start3A_17, %dma_start3A_18, %dma_start3A_19] : memref<2x2x128xi32, #tpu.memory_space<vmem>> -> memref<1x2x128xi32, #tpu.memory_space<vmem>>
    %dma_start3A_21 = tpu.memref_squeeze %dma_start3A_20 : memref<1x2x128xi32, #tpu.memory_space<vmem>> -> memref<2x128xi32, #tpu.memory_space<vmem>>
    %dma_start3A_22 = arith.constant 0 : i32
    %dma_start3A_23 = tpu.memref_slice %arg3[%add3A_4, %dma_start3A_22] : memref<6400x128xi32, #tpu.memory_space<hbm>> -> memref<2x128xi32, #tpu.memory_space<hbm>>
    %dma_start3A_24 = arith.constant 0 : i32
    %dma_start3A_25 = arith.constant 0 : i32
    %dma_start3A_26 = tpu.memref_slice %arg9[%dma_start3A_17, %dma_start3A_24, %dma_start3A_25] : memref<2x2x128xi32, #tpu.memory_space<vmem>> -> memref<1x2x128xi32, #tpu.memory_space<vmem>>
    %dma_start3A_27 = tpu.memref_squeeze %dma_start3A_26 : memref<1x2x128xi32, #tpu.memory_space<vmem>> -> memref<2x128xi32, #tpu.memory_space<vmem>>
    %dma_start3A_28 = arith.constant 0 : i32
    %dma_start3A_29 = tpu.memref_slice %arg3[%add3A_4, %dma_start3A_28] : memref<6400x128xi32, #tpu.memory_space<hbm>> -> memref<2x128xi32, #tpu.memory_space<hbm>>
    tpu.enqueue_dma source(%dma_start3A_29 : memref<2x128xi32, #tpu.memory_space<hbm>>) target(%dma_start3A_27 : memref<2x128xi32, #tpu.memory_space<vmem>>) target_semaphore(%arg14 : memref<!tpu.dma_semaphore, #tpu.memory_space<semaphore_mem>>)
    %dma_start3A_30 = arith.constant 0 : i32
    %dma_start3A_31 = arith.constant 0 : i32
    %dma_start3A_32 = arith.constant 0 : i32
    %dma_start3A_33 = tpu.memref_slice %arg10[%dma_start3A_30, %dma_start3A_31, %dma_start3A_32] : memref<2x2x128xi32, #tpu.memory_space<vmem>> -> memref<1x2x128xi32, #tpu.memory_space<vmem>>
    %dma_start3A_34 = tpu.memref_squeeze %dma_start3A_33 : memref<1x2x128xi32, #tpu.memory_space<vmem>> -> memref<2x128xi32, #tpu.memory_space<vmem>>
    %dma_start3A_35 = arith.constant 0 : i32
    %dma_start3A_36 = tpu.memref_slice %arg4[%add3A_4, %dma_start3A_35] : memref<6400x128xi32, #tpu.memory_space<hbm>> -> memref<2x128xi32, #tpu.memory_space<hbm>>
    %dma_start3A_37 = arith.constant 0 : i32
    %dma_start3A_38 = arith.constant 0 : i32
    %dma_start3A_39 = tpu.memref_slice %arg10[%dma_start3A_30, %dma_start3A_37, %dma_start3A_38] : memref<2x2x128xi32, #tpu.memory_space<vmem>> -> memref<1x2x128xi32, #tpu.memory_space<vmem>>
    %dma_start3A_40 = tpu.memref_squeeze %dma_start3A_39 : memref<1x2x128xi32, #tpu.memory_space<vmem>> -> memref<2x128xi32, #tpu.memory_space<vmem>>
    %dma_start3A_41 = arith.constant 0 : i32
    %dma_start3A_42 = tpu.memref_slice %arg4[%add3A_4, %dma_start3A_41] : memref<6400x128xi32, #tpu.memory_space<hbm>> -> memref<2x128xi32, #tpu.memory_space<hbm>>
    tpu.enqueue_dma source(%dma_start3A_42 : memref<2x128xi32, #tpu.memory_space<hbm>>) target(%dma_start3A_40 : memref<2x128xi32, #tpu.memory_space<vmem>>) target_semaphore(%arg14 : memref<!tpu.dma_semaphore, #tpu.memory_space<semaphore_mem>>)
    %scan3A = arith.constant 0 : i32
    %scan3A_43 = arith.constant 0 : i32
    %scan3A_44 = arith.constant 50 : i32
    %scan3A_45 = arith.addi %scan3A_43, %scan3A_44 : i32
    %scan3A_46 = arith.constant 1 : i32
    scf.for %scan3A_189 = %scan3A_43 to %scan3A_45 step %scan3A_46  : i32 {
      %mul3A_190 = arith.constant 2 : i32
      %mul3A_191 = arith.muli %mul3A_190, %scan3A_189 : i32
      %add3A_192 = arith.constant 0 : i32
      %add3A_193 = arith.addi %mul3A_191, %add3A_192 : i32
      %ge3A = arith.constant 1 : i32
      %ge3A_194 = arith.cmpi sge, %scan3A_189, %ge3A : i32
      %convert_element_type3A = arith.extui %ge3A_194 : i1 to i32
      %cond3A = arith.constant 0 : i32
      %cond3A_195 = arith.cmpi ne, %convert_element_type3A, %cond3A : i32
      scf.if %cond3A_195 {
        %sub3A = arith.constant 2 : i32
        %sub3A_1363 = arith.subi %add3A_193, %sub3A : i32
        %mul3A_1364 = arith.constant 2 : i32
        %mul3A_1365 = arith.muli %sub3A_1363, %mul3A_1364 : i32
        %add3A_1366 = arith.addi %mul3A_2, %mul3A_1365 : i32
        %mul3A_1367 = arith.constant 128 : i32
        %mul3A_1368 = arith.muli %add3A_1366, %mul3A_1367 : i32
        %dma_wait3A_1369 = arith.constant 0 : i32
        %dma_wait3A_1370 = arith.constant 0 : i32
        %dma_wait3A_1371 = arith.constant 0 : i32
        %dma_wait3A_1372 = tpu.memref_slice %arg12[%dma_wait3A_1369, %dma_wait3A_1370, %dma_wait3A_1371] : memref<2x256x64xf32, #tpu.memory_space<vmem>> -> memref<1x256x64xf32, #tpu.memory_space<vmem>>
        %dma_wait3A_1373 = tpu.memref_squeeze %dma_wait3A_1372 : memref<1x256x64xf32, #tpu.memory_space<vmem>> -> memref<256x64xf32, #tpu.memory_space<vmem>>
        %dma_wait3A_1374 = arith.constant 0 : i32
        %dma_wait3A_1375 = tpu.memref_slice %arg7[%mul3A_1368, %dma_wait3A_1374] : memref<819200x128xf32, #tpu.memory_space<hbm>> -> memref<256x64xf32, #tpu.memory_space<hbm>>
        %dma_wait3A_1376 = arith.constant 0 : i32
        %dma_wait3A_1377 = tpu.memref_slice %arg7[%mul3A_1368, %dma_wait3A_1376] : memref<819200x128xf32, #tpu.memory_space<hbm>> -> memref<256x64xf32, #tpu.memory_space<hbm>>
        %dma_wait3A_1378 = arith.constant 0 : i32
        %dma_wait3A_1379 = arith.constant 0 : i32
        %dma_wait3A_1380 = tpu.memref_slice %arg12[%dma_wait3A_1369, %dma_wait3A_1378, %dma_wait3A_1379] : memref<2x256x64xf32, #tpu.memory_space<vmem>> -> memref<1x256x64xf32, #tpu.memory_space<vmem>>
        %dma_wait3A_1381 = tpu.memref_squeeze %dma_wait3A_1380 : memref<1x256x64xf32, #tpu.memory_space<vmem>> -> memref<256x64xf32, #tpu.memory_space<vmem>>
        tpu.wait_dma2 semaphore(%arg18 : memref<!tpu.dma_semaphore, #tpu.memory_space<semaphore_mem>>) src(%dma_wait3A_1381 : memref<256x64xf32, #tpu.memory_space<vmem>>) dst(%dma_wait3A_1377 : memref<256x64xf32, #tpu.memory_space<hbm>>)
        %dma_wait3A_1382 = arith.constant 0 : i32
        %dma_wait3A_1383 = arith.constant 0 : i32
        %dma_wait3A_1384 = arith.constant 0 : i32
        %dma_wait3A_1385 = tpu.memref_slice %arg13[%dma_wait3A_1382, %dma_wait3A_1383, %dma_wait3A_1384] : memref<2x256x64xf32, #tpu.memory_space<vmem>> -> memref<1x256x64xf32, #tpu.memory_space<vmem>>
        %dma_wait3A_1386 = tpu.memref_squeeze %dma_wait3A_1385 : memref<1x256x64xf32, #tpu.memory_space<vmem>> -> memref<256x64xf32, #tpu.memory_space<vmem>>
        %dma_wait3A_1387 = arith.constant 64 : i32
        %dma_wait3A_1388 = tpu.memref_slice %arg7[%mul3A_1368, %dma_wait3A_1387] : memref<819200x128xf32, #tpu.memory_space<hbm>> -> memref<256x64xf32, #tpu.memory_space<hbm>>
        %dma_wait3A_1389 = arith.constant 64 : i32
        %dma_wait3A_1390 = tpu.memref_slice %arg7[%mul3A_1368, %dma_wait3A_1389] : memref<819200x128xf32, #tpu.memory_space<hbm>> -> memref<256x64xf32, #tpu.memory_space<hbm>>
        %dma_wait3A_1391 = arith.constant 0 : i32
        %dma_wait3A_1392 = arith.constant 0 : i32
        %dma_wait3A_1393 = tpu.memref_slice %arg13[%dma_wait3A_1382, %dma_wait3A_1391, %dma_wait3A_1392] : memref<2x256x64xf32, #tpu.memory_space<vmem>> -> memref<1x256x64xf32, #tpu.memory_space<vmem>>
        %dma_wait3A_1394 = tpu.memref_squeeze %dma_wait3A_1393 : memref<1x256x64xf32, #tpu.memory_space<vmem>> -> memref<256x64xf32, #tpu.memory_space<vmem>>
        tpu.wait_dma2 semaphore(%arg18 : memref<!tpu.dma_semaphore, #tpu.memory_space<semaphore_mem>>) src(%dma_wait3A_1394 : memref<256x64xf32, #tpu.memory_space<vmem>>) dst(%dma_wait3A_1390 : memref<256x64xf32, #tpu.memory_space<hbm>>)
      } else {
      }
      %mul3A_196 = arith.constant 2 : i32
      %mul3A_197 = arith.muli %add3A_193, %mul3A_196 : i32
      %add3A_198 = arith.addi %mul3A_2, %mul3A_197 : i32
      %dma_wait3A_199 = arith.constant 0 : i32
      %dma_wait3A_200 = arith.constant 0 : i32
      %dma_wait3A_201 = arith.constant 0 : i32
      %dma_wait3A_202 = tpu.memref_slice %arg8[%dma_wait3A_199, %dma_wait3A_200, %dma_wait3A_201] : memref<2x2x128xi32, #tpu.memory_space<vmem>> -> memref<1x2x128xi32, #tpu.memory_space<vmem>>
      %dma_wait3A_203 = tpu.memref_squeeze %dma_wait3A_202 : memref<1x2x128xi32, #tpu.memory_space<vmem>> -> memref<2x128xi32, #tpu.memory_space<vmem>>
      %dma_wait3A_204 = arith.constant 0 : i32
      %dma_wait3A_205 = tpu.memref_slice %arg2[%add3A_198, %dma_wait3A_204] : memref<6400x128xi32, #tpu.memory_space<hbm>> -> memref<2x128xi32, #tpu.memory_space<hbm>>
      %dma_wait3A_206 = arith.constant 0 : i32
      %dma_wait3A_207 = arith.constant 0 : i32
      %dma_wait3A_208 = tpu.memref_slice %arg8[%dma_wait3A_199, %dma_wait3A_206, %dma_wait3A_207] : memref<2x2x128xi32, #tpu.memory_space<vmem>> -> memref<1x2x128xi32, #tpu.memory_space<vmem>>
      %dma_wait3A_209 = tpu.memref_squeeze %dma_wait3A_208 : memref<1x2x128xi32, #tpu.memory_space<vmem>> -> memref<2x128xi32, #tpu.memory_space<vmem>>
      %dma_wait3A_210 = arith.constant 0 : i32
      %dma_wait3A_211 = tpu.memref_slice %arg2[%add3A_198, %dma_wait3A_210] : memref<6400x128xi32, #tpu.memory_space<hbm>> -> memref<2x128xi32, #tpu.memory_space<hbm>>
      tpu.wait_dma2 semaphore(%arg14 : memref<!tpu.dma_semaphore, #tpu.memory_space<semaphore_mem>>) src(%dma_wait3A_211 : memref<2x128xi32, #tpu.memory_space<hbm>>) dst(%dma_wait3A_209 : memref<2x128xi32, #tpu.memory_space<vmem>>)
      %dma_wait3A_212 = arith.constant 0 : i32
      %dma_wait3A_213 = arith.constant 0 : i32
      %dma_wait3A_214 = arith.constant 0 : i32
      %dma_wait3A_215 = tpu.memref_slice %arg9[%dma_wait3A_212, %dma_wait3A_213, %dma_wait3A_214] : memref<2x2x128xi32, #tpu.memory_space<vmem>> -> memref<1x2x128xi32, #tpu.memory_space<vmem>>
      %dma_wait3A_216 = tpu.memref_squeeze %dma_wait3A_215 : memref<1x2x128xi32, #tpu.memory_space<vmem>> -> memref<2x128xi32, #tpu.memory_space<vmem>>
      %dma_wait3A_217 = arith.constant 0 : i32
      %dma_wait3A_218 = tpu.memref_slice %arg3[%add3A_198, %dma_wait3A_217] : memref<6400x128xi32, #tpu.memory_space<hbm>> -> memref<2x128xi32, #tpu.memory_space<hbm>>
      %dma_wait3A_219 = arith.constant 0 : i32
      %dma_wait3A_220 = arith.constant 0 : i32
      %dma_wait3A_221 = tpu.memref_slice %arg9[%dma_wait3A_212, %dma_wait3A_219, %dma_wait3A_220] : memref<2x2x128xi32, #tpu.memory_space<vmem>> -> memref<1x2x128xi32, #tpu.memory_space<vmem>>
      %dma_wait3A_222 = tpu.memref_squeeze %dma_wait3A_221 : memref<1x2x128xi32, #tpu.memory_space<vmem>> -> memref<2x128xi32, #tpu.memory_space<vmem>>
      %dma_wait3A_223 = arith.constant 0 : i32
      %dma_wait3A_224 = tpu.memref_slice %arg3[%add3A_198, %dma_wait3A_223] : memref<6400x128xi32, #tpu.memory_space<hbm>> -> memref<2x128xi32, #tpu.memory_space<hbm>>
      tpu.wait_dma2 semaphore(%arg14 : memref<!tpu.dma_semaphore, #tpu.memory_space<semaphore_mem>>) src(%dma_wait3A_224 : memref<2x128xi32, #tpu.memory_space<hbm>>) dst(%dma_wait3A_222 : memref<2x128xi32, #tpu.memory_space<vmem>>)
      %dma_wait3A_225 = arith.constant 0 : i32
      %dma_wait3A_226 = arith.constant 0 : i32
      %dma_wait3A_227 = arith.constant 0 : i32
      %dma_wait3A_228 = tpu.memref_slice %arg10[%dma_wait3A_225, %dma_wait3A_226, %dma_wait3A_227] : memref<2x2x128xi32, #tpu.memory_space<vmem>> -> memref<1x2x128xi32, #tpu.memory_space<vmem>>
      %dma_wait3A_229 = tpu.memref_squeeze %dma_wait3A_228 : memref<1x2x128xi32, #tpu.memory_space<vmem>> -> memref<2x128xi32, #tpu.memory_space<vmem>>
      %dma_wait3A_230 = arith.constant 0 : i32
      %dma_wait3A_231 = tpu.memref_slice %arg4[%add3A_198, %dma_wait3A_230] : memref<6400x128xi32, #tpu.memory_space<hbm>> -> memref<2x128xi32, #tpu.memory_space<hbm>>
      %dma_wait3A_232 = arith.constant 0 : i32
      %dma_wait3A_233 = arith.constant 0 : i32
      %dma_wait3A_234 = tpu.memref_slice %arg10[%dma_wait3A_225, %dma_wait3A_232, %dma_wait3A_233] : memref<2x2x128xi32, #tpu.memory_space<vmem>> -> memref<1x2x128xi32, #tpu.memory_space<vmem>>
      %dma_wait3A_235 = tpu.memref_squeeze %dma_wait3A_234 : memref<1x2x128xi32, #tpu.memory_space<vmem>> -> memref<2x128xi32, #tpu.memory_space<vmem>>
      %dma_wait3A_236 = arith.constant 0 : i32
      %dma_wait3A_237 = tpu.memref_slice %arg4[%add3A_198, %dma_wait3A_236] : memref<6400x128xi32, #tpu.memory_space<hbm>> -> memref<2x128xi32, #tpu.memory_space<hbm>>
      tpu.wait_dma2 semaphore(%arg14 : memref<!tpu.dma_semaphore, #tpu.memory_space<semaphore_mem>>) src(%dma_wait3A_237 : memref<2x128xi32, #tpu.memory_space<hbm>>) dst(%dma_wait3A_235 : memref<2x128xi32, #tpu.memory_space<vmem>>)
      %get3A = arith.constant 0 : i32
      %get3A_238 = arith.constant 0 : i32
      %get3A_239 = arith.index_cast %get3A : i32 to index
      %get3A_240 = arith.index_cast %get3A_238 : i32 to index
      %get3A_241 = arith.constant 0 : index
      %get3A_242 = tpu.vector_load %arg9[%get3A_239, %get3A_240, %get3A_241] {strides = array<i32>} : memref<2x2x128xi32, #tpu.memory_space<vmem>>, vector<1x1x16xi32>,
      %get3A_243 = vector.shape_cast %get3A_242 : vector<1x1x16xi32> to vector<16xi32>
      %get3A_244 = arith.constant 0 : i32
      %get3A_245 = arith.constant 0 : i32
      %get3A_246 = arith.index_cast %get3A_244 : i32 to index
      %get3A_247 = arith.index_cast %get3A_245 : i32 to index
      %get3A_248 = arith.constant 0 : index
      %get3A_249 = tpu.vector_load %arg10[%get3A_246, %get3A_247, %get3A_248] {strides = array<i32>} : memref<2x2x128xi32, #tpu.memory_space<vmem>>, vector<1x1x16xi32>,
      %get3A_250 = vector.shape_cast %get3A_249 : vector<1x1x16xi32> to vector<16xi32>
      %mul3A_251 = arith.constant 201 : i32
      %mul3A_252 = vector.broadcast %mul3A_251 : i32 to vector<16xi32>
      %mul3A_253 = arith.muli %get3A_243, %mul3A_252 : vector<16xi32>
      %add3A_254 = arith.addi %mul3A_253, %get3A_250 : vector<16xi32>
      %swap3A = arith.constant 0 : i32
      %swap3A_255 = arith.constant 0 : i32
      %swap3A_256 = arith.index_cast %swap3A : i32 to index
      %swap3A_257 = arith.index_cast %swap3A_255 : i32 to index
      %swap3A_258 = arith.constant 0 : index
      %swap3A_259 = tpu.vector_load %arg11[%swap3A_256, %swap3A_257, %swap3A_258] {strides = array<i32>} : memref<2x2x128xi32, #tpu.memory_space<vmem>>, vector<1x1x16xi32>,
      %swap3A_260 = vector.shape_cast %swap3A_259 : vector<1x1x16xi32> to vector<16xi32>
      %swap3A_261 = vector.shape_cast %add3A_254 : vector<16xi32> to vector<1x1x16xi32>
      tpu.vector_store %arg11[%swap3A_256, %swap3A_257, %swap3A_258], %swap3A_261 {strides = array<i32>} : memref<2x2x128xi32, #tpu.memory_space<vmem>>, vector<1x1x16xi32>,
      %get3A_262 = arith.constant 0 : i32
      %get3A_263 = arith.constant 0 : i32
      %get3A_264 = arith.index_cast %get3A_262 : i32 to index
      %get3A_265 = arith.index_cast %get3A_263 : i32 to index
      %get3A_266 = arith.constant 16 : index
      %get3A_267 = tpu.vector_load %arg9[%get3A_264, %get3A_265, %get3A_266] {strides = array<i32>} : memref<2x2x128xi32, #tpu.memory_space<vmem>>, vector<1x1x16xi32>,
      %get3A_268 = vector.shape_cast %get3A_267 : vector<1x1x16xi32> to vector<16xi32>
      %get3A_269 = arith.constant 0 : i32
      %get3A_270 = arith.constant 0 : i32
      %get3A_271 = arith.index_cast %get3A_269 : i32 to index
      %get3A_272 = arith.index_cast %get3A_270 : i32 to index
      %get3A_273 = arith.constant 16 : index
      %get3A_274 = tpu.vector_load %arg10[%get3A_271, %get3A_272, %get3A_273] {strides = array<i32>} : memref<2x2x128xi32, #tpu.memory_space<vmem>>, vector<1x1x16xi32>,
      %get3A_275 = vector.shape_cast %get3A_274 : vector<1x1x16xi32> to vector<16xi32>
      %mul3A_276 = arith.constant 201 : i32
      %mul3A_277 = vector.broadcast %mul3A_276 : i32 to vector<16xi32>
      %mul3A_278 = arith.muli %get3A_268, %mul3A_277 : vector<16xi32>
      %add3A_279 = arith.addi %mul3A_278, %get3A_275 : vector<16xi32>
      %swap3A_280 = arith.constant 0 : i32
      %swap3A_281 = arith.constant 0 : i32
      %swap3A_282 = arith.index_cast %swap3A_280 : i32 to index
      %swap3A_283 = arith.index_cast %swap3A_281 : i32 to index
      %swap3A_284 = arith.constant 16 : index
      %swap3A_285 = tpu.vector_load %arg11[%swap3A_282, %swap3A_283, %swap3A_284] {strides = array<i32>} : memref<2x2x128xi32, #tpu.memory_space<vmem>>, vector<1x1x16xi32>,
      %swap3A_286 = vector.shape_cast %swap3A_285 : vector<1x1x16xi32> to vector<16xi32>
      %swap3A_287 = vector.shape_cast %add3A_279 : vector<16xi32> to vector<1x1x16xi32>
      tpu.vector_store %arg11[%swap3A_282, %swap3A_283, %swap3A_284], %swap3A_287 {strides = array<i32>} : memref<2x2x128xi32, #tpu.memory_space<vmem>>, vector<1x1x16xi32>,
      %get3A_288 = arith.constant 0 : i32
      %get3A_289 = arith.constant 0 : i32
      %get3A_290 = arith.index_cast %get3A_288 : i32 to index
      %get3A_291 = arith.index_cast %get3A_289 : i32 to index
      %get3A_292 = arith.constant 32 : index
      %get3A_293 = tpu.vector_load %arg9[%get3A_290, %get3A_291, %get3A_292] {strides = array<i32>} : memref<2x2x128xi32, #tpu.memory_space<vmem>>, vector<1x1x16xi32>,
      %get3A_294 = vector.shape_cast %get3A_293 : vector<1x1x16xi32> to vector<16xi32>
      %get3A_295 = arith.constant 0 : i32
      %get3A_296 = arith.constant 0 : i32
      %get3A_297 = arith.index_cast %get3A_295 : i32 to index
      %get3A_298 = arith.index_cast %get3A_296 : i32 to index
      %get3A_299 = arith.constant 32 : index
      %get3A_300 = tpu.vector_load %arg10[%get3A_297, %get3A_298, %get3A_299] {strides = array<i32>} : memref<2x2x128xi32, #tpu.memory_space<vmem>>, vector<1x1x16xi32>,
      %get3A_301 = vector.shape_cast %get3A_300 : vector<1x1x16xi32> to vector<16xi32>
      %mul3A_302 = arith.constant 201 : i32
      %mul3A_303 = vector.broadcast %mul3A_302 : i32 to vector<16xi32>
      %mul3A_304 = arith.muli %get3A_294, %mul3A_303 : vector<16xi32>
      %add3A_305 = arith.addi %mul3A_304, %get3A_301 : vector<16xi32>
      %swap3A_306 = arith.constant 0 : i32
      %swap3A_307 = arith.constant 0 : i32
      %swap3A_308 = arith.index_cast %swap3A_306 : i32 to index
      %swap3A_309 = arith.index_cast %swap3A_307 : i32 to index
      %swap3A_310 = arith.constant 32 : index
      %swap3A_311 = tpu.vector_load %arg11[%swap3A_308, %swap3A_309, %swap3A_310] {strides = array<i32>} : memref<2x2x128xi32, #tpu.memory_space<vmem>>, vector<1x1x16xi32>,
      %swap3A_312 = vector.shape_cast %swap3A_311 : vector<1x1x16xi32> to vector<16xi32>
      %swap3A_313 = vector.shape_cast %add3A_305 : vector<16xi32> to vector<1x1x16xi32>
      tpu.vector_store %arg11[%swap3A_308, %swap3A_309, %swap3A_310], %swap3A_313 {strides = array<i32>} : memref<2x2x128xi32, #tpu.memory_space<vmem>>, vector<1x1x16xi32>,
      %get3A_314 = arith.constant 0 : i32
      %get3A_315 = arith.constant 0 : i32
      %get3A_316 = arith.index_cast %get3A_314 : i32 to index
      %get3A_317 = arith.index_cast %get3A_315 : i32 to index
      %get3A_318 = arith.constant 48 : index
      %get3A_319 = tpu.vector_load %arg9[%get3A_316, %get3A_317, %get3A_318] {strides = array<i32>} : memref<2x2x128xi32, #tpu.memory_space<vmem>>, vector<1x1x16xi32>,
      %get3A_320 = vector.shape_cast %get3A_319 : vector<1x1x16xi32> to vector<16xi32>
      %get3A_321 = arith.constant 0 : i32
      %get3A_322 = arith.constant 0 : i32
      %get3A_323 = arith.index_cast %get3A_321 : i32 to index
      %get3A_324 = arith.index_cast %get3A_322 : i32 to index
      %get3A_325 = arith.constant 48 : index
      %get3A_326 = tpu.vector_load %arg10[%get3A_323, %get3A_324, %get3A_325] {strides = array<i32>} : memref<2x2x128xi32, #tpu.memory_space<vmem>>, vector<1x1x16xi32>,
      %get3A_327 = vector.shape_cast %get3A_326 : vector<1x1x16xi32> to vector<16xi32>
      %mul3A_328 = arith.constant 201 : i32
      %mul3A_329 = vector.broadcast %mul3A_328 : i32 to vector<16xi32>
      %mul3A_330 = arith.muli %get3A_320, %mul3A_329 : vector<16xi32>
      %add3A_331 = arith.addi %mul3A_330, %get3A_327 : vector<16xi32>
      %swap3A_332 = arith.constant 0 : i32
      %swap3A_333 = arith.constant 0 : i32
      %swap3A_334 = arith.index_cast %swap3A_332 : i32 to index
      %swap3A_335 = arith.index_cast %swap3A_333 : i32 to index
      %swap3A_336 = arith.constant 48 : index
      %swap3A_337 = tpu.vector_load %arg11[%swap3A_334, %swap3A_335, %swap3A_336] {strides = array<i32>} : memref<2x2x128xi32, #tpu.memory_space<vmem>>, vector<1x1x16xi32>,
      %swap3A_338 = vector.shape_cast %swap3A_337 : vector<1x1x16xi32> to vector<16xi32>
      %swap3A_339 = vector.shape_cast %add3A_331 : vector<16xi32> to vector<1x1x16xi32>
      tpu.vector_store %arg11[%swap3A_334, %swap3A_335, %swap3A_336], %swap3A_339 {strides = array<i32>} : memref<2x2x128xi32, #tpu.memory_space<vmem>>, vector<1x1x16xi32>,
      %get3A_340 = arith.constant 0 : i32
      %get3A_341 = arith.constant 0 : i32
      %get3A_342 = arith.index_cast %get3A_340 : i32 to index
      %get3A_343 = arith.index_cast %get3A_341 : i32 to index
      %get3A_344 = arith.constant 64 : index
      %get3A_345 = tpu.vector_load %arg9[%get3A_342, %get3A_343, %get3A_344] {strides = array<i32>} : memref<2x2x128xi32, #tpu.memory_space<vmem>>, vector<1x1x16xi32>,
      %get3A_346 = vector.shape_cast %get3A_345 : vector<1x1x16xi32> to vector<16xi32>
      %get3A_347 = arith.constant 0 : i32
      %get3A_348 = arith.constant 0 : i32
      %get3A_349 = arith.index_cast %get3A_347 : i32 to index
      %get3A_350 = arith.index_cast %get3A_348 : i32 to index
      %get3A_351 = arith.constant 64 : index
      %get3A_352 = tpu.vector_load %arg10[%get3A_349, %get3A_350, %get3A_351] {strides = array<i32>} : memref<2x2x128xi32, #tpu.memory_space<vmem>>, vector<1x1x16xi32>,
      %get3A_353 = vector.shape_cast %get3A_352 : vector<1x1x16xi32> to vector<16xi32>
      %mul3A_354 = arith.constant 201 : i32
      %mul3A_355 = vector.broadcast %mul3A_354 : i32 to vector<16xi32>
      %mul3A_356 = arith.muli %get3A_346, %mul3A_355 : vector<16xi32>
      %add3A_357 = arith.addi %mul3A_356, %get3A_353 : vector<16xi32>
      %swap3A_358 = arith.constant 0 : i32
      %swap3A_359 = arith.constant 0 : i32
      %swap3A_360 = arith.index_cast %swap3A_358 : i32 to index
      %swap3A_361 = arith.index_cast %swap3A_359 : i32 to index
      %swap3A_362 = arith.constant 64 : index
      %swap3A_363 = tpu.vector_load %arg11[%swap3A_360, %swap3A_361, %swap3A_362] {strides = array<i32>} : memref<2x2x128xi32, #tpu.memory_space<vmem>>, vector<1x1x16xi32>,
      %swap3A_364 = vector.shape_cast %swap3A_363 : vector<1x1x16xi32> to vector<16xi32>
      %swap3A_365 = vector.shape_cast %add3A_357 : vector<16xi32> to vector<1x1x16xi32>
      tpu.vector_store %arg11[%swap3A_360, %swap3A_361, %swap3A_362], %swap3A_365 {strides = array<i32>} : memref<2x2x128xi32, #tpu.memory_space<vmem>>, vector<1x1x16xi32>,
      %get3A_366 = arith.constant 0 : i32
      %get3A_367 = arith.constant 0 : i32
      %get3A_368 = arith.index_cast %get3A_366 : i32 to index
      %get3A_369 = arith.index_cast %get3A_367 : i32 to index
      %get3A_370 = arith.constant 80 : index
      %get3A_371 = tpu.vector_load %arg9[%get3A_368, %get3A_369, %get3A_370] {strides = array<i32>} : memref<2x2x128xi32, #tpu.memory_space<vmem>>, vector<1x1x16xi32>,
      %get3A_372 = vector.shape_cast %get3A_371 : vector<1x1x16xi32> to vector<16xi32>
      %get3A_373 = arith.constant 0 : i32
      %get3A_374 = arith.constant 0 : i32
      %get3A_375 = arith.index_cast %get3A_373 : i32 to index
      %get3A_376 = arith.index_cast %get3A_374 : i32 to index
      %get3A_377 = arith.constant 80 : index
      %get3A_378 = tpu.vector_load %arg10[%get3A_375, %get3A_376, %get3A_377] {strides = array<i32>} : memref<2x2x128xi32, #tpu.memory_space<vmem>>, vector<1x1x16xi32>,
      %get3A_379 = vector.shape_cast %get3A_378 : vector<1x1x16xi32> to vector<16xi32>
      %mul3A_380 = arith.constant 201 : i32
      %mul3A_381 = vector.broadcast %mul3A_380 : i32 to vector<16xi32>
      %mul3A_382 = arith.muli %get3A_372, %mul3A_381 : vector<16xi32>
      %add3A_383 = arith.addi %mul3A_382, %get3A_379 : vector<16xi32>
      %swap3A_384 = arith.constant 0 : i32
      %swap3A_385 = arith.constant 0 : i32
      %swap3A_386 = arith.index_cast %swap3A_384 : i32 to index
      %swap3A_387 = arith.index_cast %swap3A_385 : i32 to index
      %swap3A_388 = arith.constant 80 : index
      %swap3A_389 = tpu.vector_load %arg11[%swap3A_386, %swap3A_387, %swap3A_388] {strides = array<i32>} : memref<2x2x128xi32, #tpu.memory_space<vmem>>, vector<1x1x16xi32>,
      %swap3A_390 = vector.shape_cast %swap3A_389 : vector<1x1x16xi32> to vector<16xi32>
      %swap3A_391 = vector.shape_cast %add3A_383 : vector<16xi32> to vector<1x1x16xi32>
      tpu.vector_store %arg11[%swap3A_386, %swap3A_387, %swap3A_388], %swap3A_391 {strides = array<i32>} : memref<2x2x128xi32, #tpu.memory_space<vmem>>, vector<1x1x16xi32>,
      %get3A_392 = arith.constant 0 : i32
      %get3A_393 = arith.constant 0 : i32
      %get3A_394 = arith.index_cast %get3A_392 : i32 to index
      %get3A_395 = arith.index_cast %get3A_393 : i32 to index
      %get3A_396 = arith.constant 96 : index
      %get3A_397 = tpu.vector_load %arg9[%get3A_394, %get3A_395, %get3A_396] {strides = array<i32>} : memref<2x2x128xi32, #tpu.memory_space<vmem>>, vector<1x1x16xi32>,
      %get3A_398 = vector.shape_cast %get3A_397 : vector<1x1x16xi32> to vector<16xi32>
      %get3A_399 = arith.constant 0 : i32
      %get3A_400 = arith.constant 0 : i32
      %get3A_401 = arith.index_cast %get3A_399 : i32 to index
      %get3A_402 = arith.index_cast %get3A_400 : i32 to index
      %get3A_403 = arith.constant 96 : index
      %get3A_404 = tpu.vector_load %arg10[%get3A_401, %get3A_402, %get3A_403] {strides = array<i32>} : memref<2x2x128xi32, #tpu.memory_space<vmem>>, vector<1x1x16xi32>,
      %get3A_405 = vector.shape_cast %get3A_404 : vector<1x1x16xi32> to vector<16xi32>
      %mul3A_406 = arith.constant 201 : i32
      %mul3A_407 = vector.broadcast %mul3A_406 : i32 to vector<16xi32>
      %mul3A_408 = arith.muli %get3A_398, %mul3A_407 : vector<16xi32>
      %add3A_409 = arith.addi %mul3A_408, %get3A_405 : vector<16xi32>
      %swap3A_410 = arith.constant 0 : i32
      %swap3A_411 = arith.constant 0 : i32
      %swap3A_412 = arith.index_cast %swap3A_410 : i32 to index
      %swap3A_413 = arith.index_cast %swap3A_411 : i32 to index
      %swap3A_414 = arith.constant 96 : index
      %swap3A_415 = tpu.vector_load %arg11[%swap3A_412, %swap3A_413, %swap3A_414] {strides = array<i32>} : memref<2x2x128xi32, #tpu.memory_space<vmem>>, vector<1x1x16xi32>,
      %swap3A_416 = vector.shape_cast %swap3A_415 : vector<1x1x16xi32> to vector<16xi32>
      %swap3A_417 = vector.shape_cast %add3A_409 : vector<16xi32> to vector<1x1x16xi32>
      tpu.vector_store %arg11[%swap3A_412, %swap3A_413, %swap3A_414], %swap3A_417 {strides = array<i32>} : memref<2x2x128xi32, #tpu.memory_space<vmem>>, vector<1x1x16xi32>,
      %get3A_418 = arith.constant 0 : i32
      %get3A_419 = arith.constant 0 : i32
      %get3A_420 = arith.index_cast %get3A_418 : i32 to index
      %get3A_421 = arith.index_cast %get3A_419 : i32 to index
      %get3A_422 = arith.constant 112 : index
      %get3A_423 = tpu.vector_load %arg9[%get3A_420, %get3A_421, %get3A_422] {strides = array<i32>} : memref<2x2x128xi32, #tpu.memory_space<vmem>>, vector<1x1x16xi32>,
      %get3A_424 = vector.shape_cast %get3A_423 : vector<1x1x16xi32> to vector<16xi32>
      %get3A_425 = arith.constant 0 : i32
      %get3A_426 = arith.constant 0 : i32
      %get3A_427 = arith.index_cast %get3A_425 : i32 to index
      %get3A_428 = arith.index_cast %get3A_426 : i32 to index
      %get3A_429 = arith.constant 112 : index
      %get3A_430 = tpu.vector_load %arg10[%get3A_427, %get3A_428, %get3A_429] {strides = array<i32>} : memref<2x2x128xi32, #tpu.memory_space<vmem>>, vector<1x1x16xi32>,
      %get3A_431 = vector.shape_cast %get3A_430 : vector<1x1x16xi32> to vector<16xi32>
      %mul3A_432 = arith.constant 201 : i32
      %mul3A_433 = vector.broadcast %mul3A_432 : i32 to vector<16xi32>
      %mul3A_434 = arith.muli %get3A_424, %mul3A_433 : vector<16xi32>
      %add3A_435 = arith.addi %mul3A_434, %get3A_431 : vector<16xi32>
      %swap3A_436 = arith.constant 0 : i32
      %swap3A_437 = arith.constant 0 : i32
      %swap3A_438 = arith.index_cast %swap3A_436 : i32 to index
      %swap3A_439 = arith.index_cast %swap3A_437 : i32 to index
      %swap3A_440 = arith.constant 112 : index
      %swap3A_441 = tpu.vector_load %arg11[%swap3A_438, %swap3A_439, %swap3A_440] {strides = array<i32>} : memref<2x2x128xi32, #tpu.memory_space<vmem>>, vector<1x1x16xi32>,
      %swap3A_442 = vector.shape_cast %swap3A_441 : vector<1x1x16xi32> to vector<16xi32>
      %swap3A_443 = vector.shape_cast %add3A_435 : vector<16xi32> to vector<1x1x16xi32>
      tpu.vector_store %arg11[%swap3A_438, %swap3A_439, %swap3A_440], %swap3A_443 {strides = array<i32>} : memref<2x2x128xi32, #tpu.memory_space<vmem>>, vector<1x1x16xi32>,
      %get3A_444 = arith.constant 0 : i32
      %get3A_445 = arith.constant 1 : i32
      %get3A_446 = arith.index_cast %get3A_444 : i32 to index
      %get3A_447 = arith.index_cast %get3A_445 : i32 to index
      %get3A_448 = arith.constant 0 : index
      %get3A_449 = tpu.vector_load %arg9[%get3A_446, %get3A_447, %get3A_448] {strides = array<i32>} : memref<2x2x128xi32, #tpu.memory_space<vmem>>, vector<1x1x16xi32>,
      %get3A_450 = vector.shape_cast %get3A_449 : vector<1x1x16xi32> to vector<16xi32>
      %get3A_451 = arith.constant 0 : i32
      %get3A_452 = arith.constant 1 : i32
      %get3A_453 = arith.index_cast %get3A_451 : i32 to index
      %get3A_454 = arith.index_cast %get3A_452 : i32 to index
      %get3A_455 = arith.constant 0 : index
      %get3A_456 = tpu.vector_load %arg10[%get3A_453, %get3A_454, %get3A_455] {strides = array<i32>} : memref<2x2x128xi32, #tpu.memory_space<vmem>>, vector<1x1x16xi32>,
      %get3A_457 = vector.shape_cast %get3A_456 : vector<1x1x16xi32> to vector<16xi32>
      %mul3A_458 = arith.constant 201 : i32
      %mul3A_459 = vector.broadcast %mul3A_458 : i32 to vector<16xi32>
      %mul3A_460 = arith.muli %get3A_450, %mul3A_459 : vector<16xi32>
      %add3A_461 = arith.addi %mul3A_460, %get3A_457 : vector<16xi32>
      %swap3A_462 = arith.constant 0 : i32
      %swap3A_463 = arith.constant 1 : i32
      %swap3A_464 = arith.index_cast %swap3A_462 : i32 to index
      %swap3A_465 = arith.index_cast %swap3A_463 : i32 to index
      %swap3A_466 = arith.constant 0 : index
      %swap3A_467 = tpu.vector_load %arg11[%swap3A_464, %swap3A_465, %swap3A_466] {strides = array<i32>} : memref<2x2x128xi32, #tpu.memory_space<vmem>>, vector<1x1x16xi32>,
      %swap3A_468 = vector.shape_cast %swap3A_467 : vector<1x1x16xi32> to vector<16xi32>
      %swap3A_469 = vector.shape_cast %add3A_461 : vector<16xi32> to vector<1x1x16xi32>
      tpu.vector_store %arg11[%swap3A_464, %swap3A_465, %swap3A_466], %swap3A_469 {strides = array<i32>} : memref<2x2x128xi32, #tpu.memory_space<vmem>>, vector<1x1x16xi32>,
      %get3A_470 = arith.constant 0 : i32
      %get3A_471 = arith.constant 1 : i32
      %get3A_472 = arith.index_cast %get3A_470 : i32 to index
      %get3A_473 = arith.index_cast %get3A_471 : i32 to index
      %get3A_474 = arith.constant 16 : index
      %get3A_475 = tpu.vector_load %arg9[%get3A_472, %get3A_473, %get3A_474] {strides = array<i32>} : memref<2x2x128xi32, #tpu.memory_space<vmem>>, vector<1x1x16xi32>,
      %get3A_476 = vector.shape_cast %get3A_475 : vector<1x1x16xi32> to vector<16xi32>
      %get3A_477 = arith.constant 0 : i32
      %get3A_478 = arith.constant 1 : i32
      %get3A_479 = arith.index_cast %get3A_477 : i32 to index
      %get3A_480 = arith.index_cast %get3A_478 : i32 to index
      %get3A_481 = arith.constant 16 : index
      %get3A_482 = tpu.vector_load %arg10[%get3A_479, %get3A_480, %get3A_481] {strides = array<i32>} : memref<2x2x128xi32, #tpu.memory_space<vmem>>, vector<1x1x16xi32>,
      %get3A_483 = vector.shape_cast %get3A_482 : vector<1x1x16xi32> to vector<16xi32>
      %mul3A_484 = arith.constant 201 : i32
      %mul3A_485 = vector.broadcast %mul3A_484 : i32 to vector<16xi32>
      %mul3A_486 = arith.muli %get3A_476, %mul3A_485 : vector<16xi32>
      %add3A_487 = arith.addi %mul3A_486, %get3A_483 : vector<16xi32>
      %swap3A_488 = arith.constant 0 : i32
      %swap3A_489 = arith.constant 1 : i32
      %swap3A_490 = arith.index_cast %swap3A_488 : i32 to index
      %swap3A_491 = arith.index_cast %swap3A_489 : i32 to index
      %swap3A_492 = arith.constant 16 : index
      %swap3A_493 = tpu.vector_load %arg11[%swap3A_490, %swap3A_491, %swap3A_492] {strides = array<i32>} : memref<2x2x128xi32, #tpu.memory_space<vmem>>, vector<1x1x16xi32>,
      %swap3A_494 = vector.shape_cast %swap3A_493 : vector<1x1x16xi32> to vector<16xi32>
      %swap3A_495 = vector.shape_cast %add3A_487 : vector<16xi32> to vector<1x1x16xi32>
      tpu.vector_store %arg11[%swap3A_490, %swap3A_491, %swap3A_492], %swap3A_495 {strides = array<i32>} : memref<2x2x128xi32, #tpu.memory_space<vmem>>, vector<1x1x16xi32>,
      %get3A_496 = arith.constant 0 : i32
      %get3A_497 = arith.constant 1 : i32
      %get3A_498 = arith.index_cast %get3A_496 : i32 to index
      %get3A_499 = arith.index_cast %get3A_497 : i32 to index
      %get3A_500 = arith.constant 32 : index
      %get3A_501 = tpu.vector_load %arg9[%get3A_498, %get3A_499, %get3A_500] {strides = array<i32>} : memref<2x2x128xi32, #tpu.memory_space<vmem>>, vector<1x1x16xi32>,
      %get3A_502 = vector.shape_cast %get3A_501 : vector<1x1x16xi32> to vector<16xi32>
      %get3A_503 = arith.constant 0 : i32
      %get3A_504 = arith.constant 1 : i32
      %get3A_505 = arith.index_cast %get3A_503 : i32 to index
      %get3A_506 = arith.index_cast %get3A_504 : i32 to index
      %get3A_507 = arith.constant 32 : index
      %get3A_508 = tpu.vector_load %arg10[%get3A_505, %get3A_506, %get3A_507] {strides = array<i32>} : memref<2x2x128xi32, #tpu.memory_space<vmem>>, vector<1x1x16xi32>,
      %get3A_509 = vector.shape_cast %get3A_508 : vector<1x1x16xi32> to vector<16xi32>
      %mul3A_510 = arith.constant 201 : i32
      %mul3A_511 = vector.broadcast %mul3A_510 : i32 to vector<16xi32>
      %mul3A_512 = arith.muli %get3A_502, %mul3A_511 : vector<16xi32>
      %add3A_513 = arith.addi %mul3A_512, %get3A_509 : vector<16xi32>
      %swap3A_514 = arith.constant 0 : i32
      %swap3A_515 = arith.constant 1 : i32
      %swap3A_516 = arith.index_cast %swap3A_514 : i32 to index
      %swap3A_517 = arith.index_cast %swap3A_515 : i32 to index
      %swap3A_518 = arith.constant 32 : index
      %swap3A_519 = tpu.vector_load %arg11[%swap3A_516, %swap3A_517, %swap3A_518] {strides = array<i32>} : memref<2x2x128xi32, #tpu.memory_space<vmem>>, vector<1x1x16xi32>,
      %swap3A_520 = vector.shape_cast %swap3A_519 : vector<1x1x16xi32> to vector<16xi32>
      %swap3A_521 = vector.shape_cast %add3A_513 : vector<16xi32> to vector<1x1x16xi32>
      tpu.vector_store %arg11[%swap3A_516, %swap3A_517, %swap3A_518], %swap3A_521 {strides = array<i32>} : memref<2x2x128xi32, #tpu.memory_space<vmem>>, vector<1x1x16xi32>,
      %get3A_522 = arith.constant 0 : i32
      %get3A_523 = arith.constant 1 : i32
      %get3A_524 = arith.index_cast %get3A_522 : i32 to index
      %get3A_525 = arith.index_cast %get3A_523 : i32 to index
      %get3A_526 = arith.constant 48 : index
      %get3A_527 = tpu.vector_load %arg9[%get3A_524, %get3A_525, %get3A_526] {strides = array<i32>} : memref<2x2x128xi32, #tpu.memory_space<vmem>>, vector<1x1x16xi32>,
      %get3A_528 = vector.shape_cast %get3A_527 : vector<1x1x16xi32> to vector<16xi32>
      %get3A_529 = arith.constant 0 : i32
      %get3A_530 = arith.constant 1 : i32
      %get3A_531 = arith.index_cast %get3A_529 : i32 to index
      %get3A_532 = arith.index_cast %get3A_530 : i32 to index
      %get3A_533 = arith.constant 48 : index
      %get3A_534 = tpu.vector_load %arg10[%get3A_531, %get3A_532, %get3A_533] {strides = array<i32>} : memref<2x2x128xi32, #tpu.memory_space<vmem>>, vector<1x1x16xi32>,
      %get3A_535 = vector.shape_cast %get3A_534 : vector<1x1x16xi32> to vector<16xi32>
      %mul3A_536 = arith.constant 201 : i32
      %mul3A_537 = vector.broadcast %mul3A_536 : i32 to vector<16xi32>
      %mul3A_538 = arith.muli %get3A_528, %mul3A_537 : vector<16xi32>
      %add3A_539 = arith.addi %mul3A_538, %get3A_535 : vector<16xi32>
      %swap3A_540 = arith.constant 0 : i32
      %swap3A_541 = arith.constant 1 : i32
      %swap3A_542 = arith.index_cast %swap3A_540 : i32 to index
      %swap3A_543 = arith.index_cast %swap3A_541 : i32 to index
      %swap3A_544 = arith.constant 48 : index
      %swap3A_545 = tpu.vector_load %arg11[%swap3A_542, %swap3A_543, %swap3A_544] {strides = array<i32>} : memref<2x2x128xi32, #tpu.memory_space<vmem>>, vector<1x1x16xi32>,
      %swap3A_546 = vector.shape_cast %swap3A_545 : vector<1x1x16xi32> to vector<16xi32>
      %swap3A_547 = vector.shape_cast %add3A_539 : vector<16xi32> to vector<1x1x16xi32>
      tpu.vector_store %arg11[%swap3A_542, %swap3A_543, %swap3A_544], %swap3A_547 {strides = array<i32>} : memref<2x2x128xi32, #tpu.memory_space<vmem>>, vector<1x1x16xi32>,
      %get3A_548 = arith.constant 0 : i32
      %get3A_549 = arith.constant 1 : i32
      %get3A_550 = arith.index_cast %get3A_548 : i32 to index
      %get3A_551 = arith.index_cast %get3A_549 : i32 to index
      %get3A_552 = arith.constant 64 : index
      %get3A_553 = tpu.vector_load %arg9[%get3A_550, %get3A_551, %get3A_552] {strides = array<i32>} : memref<2x2x128xi32, #tpu.memory_space<vmem>>, vector<1x1x16xi32>,
      %get3A_554 = vector.shape_cast %get3A_553 : vector<1x1x16xi32> to vector<16xi32>
      %get3A_555 = arith.constant 0 : i32
      %get3A_556 = arith.constant 1 : i32
      %get3A_557 = arith.index_cast %get3A_555 : i32 to index
      %get3A_558 = arith.index_cast %get3A_556 : i32 to index
      %get3A_559 = arith.constant 64 : index
      %get3A_560 = tpu.vector_load %arg10[%get3A_557, %get3A_558, %get3A_559] {strides = array<i32>} : memref<2x2x128xi32, #tpu.memory_space<vmem>>, vector<1x1x16xi32>,
      %get3A_561 = vector.shape_cast %get3A_560 : vector<1x1x16xi32> to vector<16xi32>
      %mul3A_562 = arith.constant 201 : i32
      %mul3A_563 = vector.broadcast %mul3A_562 : i32 to vector<16xi32>
      %mul3A_564 = arith.muli %get3A_554, %mul3A_563 : vector<16xi32>
      %add3A_565 = arith.addi %mul3A_564, %get3A_561 : vector<16xi32>
      %swap3A_566 = arith.constant 0 : i32
      %swap3A_567 = arith.constant 1 : i32
      %swap3A_568 = arith.index_cast %swap3A_566 : i32 to index
      %swap3A_569 = arith.index_cast %swap3A_567 : i32 to index
      %swap3A_570 = arith.constant 64 : index
      %swap3A_571 = tpu.vector_load %arg11[%swap3A_568, %swap3A_569, %swap3A_570] {strides = array<i32>} : memref<2x2x128xi32, #tpu.memory_space<vmem>>, vector<1x1x16xi32>,
      %swap3A_572 = vector.shape_cast %swap3A_571 : vector<1x1x16xi32> to vector<16xi32>
      %swap3A_573 = vector.shape_cast %add3A_565 : vector<16xi32> to vector<1x1x16xi32>
      tpu.vector_store %arg11[%swap3A_568, %swap3A_569, %swap3A_570], %swap3A_573 {strides = array<i32>} : memref<2x2x128xi32, #tpu.memory_space<vmem>>, vector<1x1x16xi32>,
      %get3A_574 = arith.constant 0 : i32
      %get3A_575 = arith.constant 1 : i32
      %get3A_576 = arith.index_cast %get3A_574 : i32 to index
      %get3A_577 = arith.index_cast %get3A_575 : i32 to index
      %get3A_578 = arith.constant 80 : index
      %get3A_579 = tpu.vector_load %arg9[%get3A_576, %get3A_577, %get3A_578] {strides = array<i32>} : memref<2x2x128xi32, #tpu.memory_space<vmem>>, vector<1x1x16xi32>,
      %get3A_580 = vector.shape_cast %get3A_579 : vector<1x1x16xi32> to vector<16xi32>
      %get3A_581 = arith.constant 0 : i32
      %get3A_582 = arith.constant 1 : i32
      %get3A_583 = arith.index_cast %get3A_581 : i32 to index
      %get3A_584 = arith.index_cast %get3A_582 : i32 to index
      %get3A_585 = arith.constant 80 : index
      %get3A_586 = tpu.vector_load %arg10[%get3A_583, %get3A_584, %get3A_585] {strides = array<i32>} : memref<2x2x128xi32, #tpu.memory_space<vmem>>, vector<1x1x16xi32>,
      %get3A_587 = vector.shape_cast %get3A_586 : vector<1x1x16xi32> to vector<16xi32>
      %mul3A_588 = arith.constant 201 : i32
      %mul3A_589 = vector.broadcast %mul3A_588 : i32 to vector<16xi32>
      %mul3A_590 = arith.muli %get3A_580, %mul3A_589 : vector<16xi32>
      %add3A_591 = arith.addi %mul3A_590, %get3A_587 : vector<16xi32>
      %swap3A_592 = arith.constant 0 : i32
      %swap3A_593 = arith.constant 1 : i32
      %swap3A_594 = arith.index_cast %swap3A_592 : i32 to index
      %swap3A_595 = arith.index_cast %swap3A_593 : i32 to index
      %swap3A_596 = arith.constant 80 : index
      %swap3A_597 = tpu.vector_load %arg11[%swap3A_594, %swap3A_595, %swap3A_596] {strides = array<i32>} : memref<2x2x128xi32, #tpu.memory_space<vmem>>, vector<1x1x16xi32>,
      %swap3A_598 = vector.shape_cast %swap3A_597 : vector<1x1x16xi32> to vector<16xi32>
      %swap3A_599 = vector.shape_cast %add3A_591 : vector<16xi32> to vector<1x1x16xi32>
      tpu.vector_store %arg11[%swap3A_594, %swap3A_595, %swap3A_596], %swap3A_599 {strides = array<i32>} : memref<2x2x128xi32, #tpu.memory_space<vmem>>, vector<1x1x16xi32>,
      %get3A_600 = arith.constant 0 : i32
      %get3A_601 = arith.constant 1 : i32
      %get3A_602 = arith.index_cast %get3A_600 : i32 to index
      %get3A_603 = arith.index_cast %get3A_601 : i32 to index
      %get3A_604 = arith.constant 96 : index
      %get3A_605 = tpu.vector_load %arg9[%get3A_602, %get3A_603, %get3A_604] {strides = array<i32>} : memref<2x2x128xi32, #tpu.memory_space<vmem>>, vector<1x1x16xi32>,
      %get3A_606 = vector.shape_cast %get3A_605 : vector<1x1x16xi32> to vector<16xi32>
      %get3A_607 = arith.constant 0 : i32
      %get3A_608 = arith.constant 1 : i32
      %get3A_609 = arith.index_cast %get3A_607 : i32 to index
      %get3A_610 = arith.index_cast %get3A_608 : i32 to index
      %get3A_611 = arith.constant 96 : index
      %get3A_612 = tpu.vector_load %arg10[%get3A_609, %get3A_610, %get3A_611] {strides = array<i32>} : memref<2x2x128xi32, #tpu.memory_space<vmem>>, vector<1x1x16xi32>,
      %get3A_613 = vector.shape_cast %get3A_612 : vector<1x1x16xi32> to vector<16xi32>
      %mul3A_614 = arith.constant 201 : i32
      %mul3A_615 = vector.broadcast %mul3A_614 : i32 to vector<16xi32>
      %mul3A_616 = arith.muli %get3A_606, %mul3A_615 : vector<16xi32>
      %add3A_617 = arith.addi %mul3A_616, %get3A_613 : vector<16xi32>
      %swap3A_618 = arith.constant 0 : i32
      %swap3A_619 = arith.constant 1 : i32
      %swap3A_620 = arith.index_cast %swap3A_618 : i32 to index
      %swap3A_621 = arith.index_cast %swap3A_619 : i32 to index
      %swap3A_622 = arith.constant 96 : index
      %swap3A_623 = tpu.vector_load %arg11[%swap3A_620, %swap3A_621, %swap3A_622] {strides = array<i32>} : memref<2x2x128xi32, #tpu.memory_space<vmem>>, vector<1x1x16xi32>,
      %swap3A_624 = vector.shape_cast %swap3A_623 : vector<1x1x16xi32> to vector<16xi32>
      %swap3A_625 = vector.shape_cast %add3A_617 : vector<16xi32> to vector<1x1x16xi32>
      tpu.vector_store %arg11[%swap3A_620, %swap3A_621, %swap3A_622], %swap3A_625 {strides = array<i32>} : memref<2x2x128xi32, #tpu.memory_space<vmem>>, vector<1x1x16xi32>,
      %get3A_626 = arith.constant 0 : i32
      %get3A_627 = arith.constant 1 : i32
      %get3A_628 = arith.index_cast %get3A_626 : i32 to index
      %get3A_629 = arith.index_cast %get3A_627 : i32 to index
      %get3A_630 = arith.constant 112 : index
      %get3A_631 = tpu.vector_load %arg9[%get3A_628, %get3A_629, %get3A_630] {strides = array<i32>} : memref<2x2x128xi32, #tpu.memory_space<vmem>>, vector<1x1x16xi32>,
      %get3A_632 = vector.shape_cast %get3A_631 : vector<1x1x16xi32> to vector<16xi32>
      %get3A_633 = arith.constant 0 : i32
      %get3A_634 = arith.constant 1 : i32
      %get3A_635 = arith.index_cast %get3A_633 : i32 to index
      %get3A_636 = arith.index_cast %get3A_634 : i32 to index
      %get3A_637 = arith.constant 112 : index
      %get3A_638 = tpu.vector_load %arg10[%get3A_635, %get3A_636, %get3A_637] {strides = array<i32>} : memref<2x2x128xi32, #tpu.memory_space<vmem>>, vector<1x1x16xi32>,
      %get3A_639 = vector.shape_cast %get3A_638 : vector<1x1x16xi32> to vector<16xi32>
      %mul3A_640 = arith.constant 201 : i32
      %mul3A_641 = vector.broadcast %mul3A_640 : i32 to vector<16xi32>
      %mul3A_642 = arith.muli %get3A_632, %mul3A_641 : vector<16xi32>
      %add3A_643 = arith.addi %mul3A_642, %get3A_639 : vector<16xi32>
      %swap3A_644 = arith.constant 0 : i32
      %swap3A_645 = arith.constant 1 : i32
      %swap3A_646 = arith.index_cast %swap3A_644 : i32 to index
      %swap3A_647 = arith.index_cast %swap3A_645 : i32 to index
      %swap3A_648 = arith.constant 112 : index
      %swap3A_649 = tpu.vector_load %arg11[%swap3A_646, %swap3A_647, %swap3A_648] {strides = array<i32>} : memref<2x2x128xi32, #tpu.memory_space<vmem>>, vector<1x1x16xi32>,
      %swap3A_650 = vector.shape_cast %swap3A_649 : vector<1x1x16xi32> to vector<16xi32>
      %swap3A_651 = vector.shape_cast %add3A_643 : vector<16xi32> to vector<1x1x16xi32>
      tpu.vector_store %arg11[%swap3A_646, %swap3A_647, %swap3A_648], %swap3A_651 {strides = array<i32>} : memref<2x2x128xi32, #tpu.memory_space<vmem>>, vector<1x1x16xi32>,
      %dma_start3A_652 = arith.constant 0 : i32
      %dma_start3A_653 = arith.constant 0 : i32
      %dma_start3A_654 = arith.constant 0 : i32
      %dma_start3A_655 = arith.constant 0 : i32
      %dma_start3A_656 = arith.constant 0 : i32
      %dma_start3A_657 = tpu.memref_slice %arg12[%dma_start3A_654, %dma_start3A_655, %dma_start3A_656] : memref<2x256x64xf32, #tpu.memory_space<vmem>> -> memref<1x128x64xf32, #tpu.memory_space<vmem>>
      %dma_start3A_658 = tpu.memref_squeeze %dma_start3A_657 : memref<1x128x64xf32, #tpu.memory_space<vmem>> -> memref<128x64xf32, #tpu.memory_space<vmem>>
      %dma_start3A_659 = arith.constant 0 : i32
      %dma_start3A_660 = tpu.memref_slice %arg8[%dma_start3A_652, %dma_start3A_653, %dma_start3A_659] : memref<2x2x128xi32, #tpu.memory_space<vmem>> -> memref<1x1x128xi32, #tpu.memory_space<vmem>>
      %dma_start3A_661 = tpu.memref_squeeze %dma_start3A_660 : memref<1x1x128xi32, #tpu.memory_space<vmem>> -> memref<128xi32, #tpu.memory_space<vmem>>
      %dma_start3A_662 = arith.constant 0 : i32
      %dma_start3A_663 = arith.constant 0 : i32
      %dma_start3A_664 = tpu.memref_slice %arg5[%dma_start3A_662, %dma_start3A_663] : memref<1000002x64xf32, #tpu.memory_space<hbm>> -> memref<1000002x64xf32, #tpu.memory_space<hbm>>
      tpu.enqueue_indirect_dma source(%dma_start3A_664 : memref<1000002x64xf32, #tpu.memory_space<hbm>>) target(%dma_start3A_658 : memref<128x64xf32, #tpu.memory_space<vmem>>) offsets(%dma_start3A_661 : memref<128xi32, #tpu.memory_space<vmem>>) semaphore(%arg16 : memref<!tpu.dma_semaphore, #tpu.memory_space<semaphore_mem>>)
      %dma_start3A_665 = arith.constant 0 : i32
      %dma_start3A_666 = arith.constant 0 : i32
      %dma_start3A_667 = arith.constant 0 : i32
      %dma_start3A_668 = arith.constant 0 : i32
      %dma_start3A_669 = arith.constant 0 : i32
      %dma_start3A_670 = tpu.memref_slice %arg13[%dma_start3A_667, %dma_start3A_668, %dma_start3A_669] : memref<2x256x64xf32, #tpu.memory_space<vmem>> -> memref<1x128x64xf32, #tpu.memory_space<vmem>>
      %dma_start3A_671 = tpu.memref_squeeze %dma_start3A_670 : memref<1x128x64xf32, #tpu.memory_space<vmem>> -> memref<128x64xf32, #tpu.memory_space<vmem>>
      %dma_start3A_672 = arith.constant 0 : i32
      %dma_start3A_673 = tpu.memref_slice %arg11[%dma_start3A_665, %dma_start3A_666, %dma_start3A_672] : memref<2x2x128xi32, #tpu.memory_space<vmem>> -> memref<1x1x128xi32, #tpu.memory_space<vmem>>
      %dma_start3A_674 = tpu.memref_squeeze %dma_start3A_673 : memref<1x1x128xi32, #tpu.memory_space<vmem>> -> memref<128xi32, #tpu.memory_space<vmem>>
      %dma_start3A_675 = arith.constant 0 : i32
      %dma_start3A_676 = arith.constant 0 : i32
      %dma_start3A_677 = tpu.memref_slice %arg6[%dma_start3A_675, %dma_start3A_676] : memref<40401x64xf32, #tpu.memory_space<hbm>> -> memref<40401x64xf32, #tpu.memory_space<hbm>>
      tpu.enqueue_indirect_dma source(%dma_start3A_677 : memref<40401x64xf32, #tpu.memory_space<hbm>>) target(%dma_start3A_671 : memref<128x64xf32, #tpu.memory_space<vmem>>) offsets(%dma_start3A_674 : memref<128xi32, #tpu.memory_space<vmem>>) semaphore(%arg16 : memref<!tpu.dma_semaphore, #tpu.memory_space<semaphore_mem>>)
      %dma_start3A_678 = arith.constant 0 : i32
      %dma_start3A_679 = arith.constant 1 : i32
      %dma_start3A_680 = arith.constant 0 : i32
      %dma_start3A_681 = arith.constant 128 : i32
      %dma_start3A_682 = arith.constant 0 : i32
      %dma_start3A_683 = tpu.memref_slice %arg12[%dma_start3A_680, %dma_start3A_681, %dma_start3A_682] : memref<2x256x64xf32, #tpu.memory_space<vmem>> -> memref<1x128x64xf32, #tpu.memory_space<vmem>>
      %dma_start3A_684 = tpu.memref_squeeze %dma_start3A_683 : memref<1x128x64xf32, #tpu.memory_space<vmem>> -> memref<128x64xf32, #tpu.memory_space<vmem>>
      %dma_start3A_685 = arith.constant 0 : i32
      %dma_start3A_686 = tpu.memref_slice %arg8[%dma_start3A_678, %dma_start3A_679, %dma_start3A_685] : memref<2x2x128xi32, #tpu.memory_space<vmem>> -> memref<1x1x128xi32, #tpu.memory_space<vmem>>
      %dma_start3A_687 = tpu.memref_squeeze %dma_start3A_686 : memref<1x1x128xi32, #tpu.memory_space<vmem>> -> memref<128xi32, #tpu.memory_space<vmem>>
      %dma_start3A_688 = arith.constant 0 : i32
      %dma_start3A_689 = arith.constant 0 : i32
      %dma_start3A_690 = tpu.memref_slice %arg5[%dma_start3A_688, %dma_start3A_689] : memref<1000002x64xf32, #tpu.memory_space<hbm>> -> memref<1000002x64xf32, #tpu.memory_space<hbm>>
      tpu.enqueue_indirect_dma source(%dma_start3A_690 : memref<1000002x64xf32, #tpu.memory_space<hbm>>) target(%dma_start3A_684 : memref<128x64xf32, #tpu.memory_space<vmem>>) offsets(%dma_start3A_687 : memref<128xi32, #tpu.memory_space<vmem>>) semaphore(%arg16 : memref<!tpu.dma_semaphore, #tpu.memory_space<semaphore_mem>>)
      %dma_start3A_691 = arith.constant 0 : i32
      %dma_start3A_692 = arith.constant 1 : i32
      %dma_start3A_693 = arith.constant 0 : i32
      %dma_start3A_694 = arith.constant 128 : i32
      %dma_start3A_695 = arith.constant 0 : i32
      %dma_start3A_696 = tpu.memref_slice %arg13[%dma_start3A_693, %dma_start3A_694, %dma_start3A_695] : memref<2x256x64xf32, #tpu.memory_space<vmem>> -> memref<1x128x64xf32, #tpu.memory_space<vmem>>
      %dma_start3A_697 = tpu.memref_squeeze %dma_start3A_696 : memref<1x128x64xf32, #tpu.memory_space<vmem>> -> memref<128x64xf32, #tpu.memory_space<vmem>>
      %dma_start3A_698 = arith.constant 0 : i32
      %dma_start3A_699 = tpu.memref_slice %arg11[%dma_start3A_691, %dma_start3A_692, %dma_start3A_698] : memref<2x2x128xi32, #tpu.memory_space<vmem>> -> memref<1x1x128xi32, #tpu.memory_space<vmem>>
      %dma_start3A_700 = tpu.memref_squeeze %dma_start3A_699 : memref<1x1x128xi32, #tpu.memory_space<vmem>> -> memref<128xi32, #tpu.memory_space<vmem>>
      %dma_start3A_701 = arith.constant 0 : i32
      %dma_start3A_702 = arith.constant 0 : i32
      %dma_start3A_703 = tpu.memref_slice %arg6[%dma_start3A_701, %dma_start3A_702] : memref<40401x64xf32, #tpu.memory_space<hbm>> -> memref<40401x64xf32, #tpu.memory_space<hbm>>
      tpu.enqueue_indirect_dma source(%dma_start3A_703 : memref<40401x64xf32, #tpu.memory_space<hbm>>) target(%dma_start3A_697 : memref<128x64xf32, #tpu.memory_space<vmem>>) offsets(%dma_start3A_700 : memref<128xi32, #tpu.memory_space<vmem>>) semaphore(%arg16 : memref<!tpu.dma_semaphore, #tpu.memory_space<semaphore_mem>>)
      %ge3A_704 = arith.constant 1 : i32
      %ge3A_705 = arith.cmpi sge, %scan3A_189, %ge3A_704 : i32
      %convert_element_type3A_706 = arith.extui %ge3A_705 : i1 to i32
      %cond3A_707 = arith.constant 0 : i32
      %cond3A_708 = arith.cmpi ne, %convert_element_type3A_706, %cond3A_707 : i32
      scf.if %cond3A_708 {
        %dma_wait3A_1363 = arith.constant 1 : i32
        %dma_wait3A_1364 = arith.constant 0 : i32
        %dma_wait3A_1365 = arith.constant 1 : i32
        %dma_wait3A_1366 = arith.constant 0 : i32
        %dma_wait3A_1367 = arith.constant 0 : i32
        %dma_wait3A_1368 = tpu.memref_slice %arg12[%dma_wait3A_1365, %dma_wait3A_1366, %dma_wait3A_1367] : memref<2x256x64xf32, #tpu.memory_space<vmem>> -> memref<1x128x64xf32, #tpu.memory_space<vmem>>
        %dma_wait3A_1369 = tpu.memref_squeeze %dma_wait3A_1368 : memref<1x128x64xf32, #tpu.memory_space<vmem>> -> memref<128x64xf32, #tpu.memory_space<vmem>>
        %dma_wait3A_1370 = arith.constant 0 : i32
        %dma_wait3A_1371 = tpu.memref_slice %arg8[%dma_wait3A_1363, %dma_wait3A_1364, %dma_wait3A_1370] : memref<2x2x128xi32, #tpu.memory_space<vmem>> -> memref<1x1x128xi32, #tpu.memory_space<vmem>>
        %dma_wait3A_1372 = tpu.memref_squeeze %dma_wait3A_1371 : memref<1x1x128xi32, #tpu.memory_space<vmem>> -> memref<128xi32, #tpu.memory_space<vmem>>
        %dma_wait3A_1373 = arith.constant 0 : i32
        %dma_wait3A_1374 = arith.constant 0 : i32
        %dma_wait3A_1375 = tpu.memref_slice %arg5[%dma_wait3A_1373, %dma_wait3A_1374] : memref<1000002x64xf32, #tpu.memory_space<hbm>> -> memref<1000002x64xf32, #tpu.memory_space<hbm>>
        tpu.wait_indirect_dma semaphore(%arg17 : memref<!tpu.dma_semaphore, #tpu.memory_space<semaphore_mem>>) src(%dma_wait3A_1375 : memref<1000002x64xf32, #tpu.memory_space<hbm>>) dst(%dma_wait3A_1369 : memref<128x64xf32, #tpu.memory_space<vmem>>)
        %dma_wait3A_1376 = arith.constant 1 : i32
        %dma_wait3A_1377 = arith.constant 0 : i32
        %dma_wait3A_1378 = arith.constant 1 : i32
        %dma_wait3A_1379 = arith.constant 0 : i32
        %dma_wait3A_1380 = arith.constant 0 : i32
        %dma_wait3A_1381 = tpu.memref_slice %arg13[%dma_wait3A_1378, %dma_wait3A_1379, %dma_wait3A_1380] : memref<2x256x64xf32, #tpu.memory_space<vmem>> -> memref<1x128x64xf32, #tpu.memory_space<vmem>>
        %dma_wait3A_1382 = tpu.memref_squeeze %dma_wait3A_1381 : memref<1x128x64xf32, #tpu.memory_space<vmem>> -> memref<128x64xf32, #tpu.memory_space<vmem>>
        %dma_wait3A_1383 = arith.constant 0 : i32
        %dma_wait3A_1384 = tpu.memref_slice %arg11[%dma_wait3A_1376, %dma_wait3A_1377, %dma_wait3A_1383] : memref<2x2x128xi32, #tpu.memory_space<vmem>> -> memref<1x1x128xi32, #tpu.memory_space<vmem>>
        %dma_wait3A_1385 = tpu.memref_squeeze %dma_wait3A_1384 : memref<1x1x128xi32, #tpu.memory_space<vmem>> -> memref<128xi32, #tpu.memory_space<vmem>>
        %dma_wait3A_1386 = arith.constant 0 : i32
        %dma_wait3A_1387 = arith.constant 0 : i32
        %dma_wait3A_1388 = tpu.memref_slice %arg6[%dma_wait3A_1386, %dma_wait3A_1387] : memref<40401x64xf32, #tpu.memory_space<hbm>> -> memref<40401x64xf32, #tpu.memory_space<hbm>>
        tpu.wait_indirect_dma semaphore(%arg17 : memref<!tpu.dma_semaphore, #tpu.memory_space<semaphore_mem>>) src(%dma_wait3A_1388 : memref<40401x64xf32, #tpu.memory_space<hbm>>) dst(%dma_wait3A_1382 : memref<128x64xf32, #tpu.memory_space<vmem>>)
        %dma_wait3A_1389 = arith.constant 1 : i32
        %dma_wait3A_1390 = arith.constant 1 : i32
        %dma_wait3A_1391 = arith.constant 1 : i32
        %dma_wait3A_1392 = arith.constant 128 : i32
        %dma_wait3A_1393 = arith.constant 0 : i32
        %dma_wait3A_1394 = tpu.memref_slice %arg12[%dma_wait3A_1391, %dma_wait3A_1392, %dma_wait3A_1393] : memref<2x256x64xf32, #tpu.memory_space<vmem>> -> memref<1x128x64xf32, #tpu.memory_space<vmem>>
        %dma_wait3A_1395 = tpu.memref_squeeze %dma_wait3A_1394 : memref<1x128x64xf32, #tpu.memory_space<vmem>> -> memref<128x64xf32, #tpu.memory_space<vmem>>
        %dma_wait3A_1396 = arith.constant 0 : i32
        %dma_wait3A_1397 = tpu.memref_slice %arg8[%dma_wait3A_1389, %dma_wait3A_1390, %dma_wait3A_1396] : memref<2x2x128xi32, #tpu.memory_space<vmem>> -> memref<1x1x128xi32, #tpu.memory_space<vmem>>
        %dma_wait3A_1398 = tpu.memref_squeeze %dma_wait3A_1397 : memref<1x1x128xi32, #tpu.memory_space<vmem>> -> memref<128xi32, #tpu.memory_space<vmem>>
        %dma_wait3A_1399 = arith.constant 0 : i32
        %dma_wait3A_1400 = arith.constant 0 : i32
        %dma_wait3A_1401 = tpu.memref_slice %arg5[%dma_wait3A_1399, %dma_wait3A_1400] : memref<1000002x64xf32, #tpu.memory_space<hbm>> -> memref<1000002x64xf32, #tpu.memory_space<hbm>>
        tpu.wait_indirect_dma semaphore(%arg17 : memref<!tpu.dma_semaphore, #tpu.memory_space<semaphore_mem>>) src(%dma_wait3A_1401 : memref<1000002x64xf32, #tpu.memory_space<hbm>>) dst(%dma_wait3A_1395 : memref<128x64xf32, #tpu.memory_space<vmem>>)
        %dma_wait3A_1402 = arith.constant 1 : i32
        %dma_wait3A_1403 = arith.constant 1 : i32
        %dma_wait3A_1404 = arith.constant 1 : i32
        %dma_wait3A_1405 = arith.constant 128 : i32
        %dma_wait3A_1406 = arith.constant 0 : i32
        %dma_wait3A_1407 = tpu.memref_slice %arg13[%dma_wait3A_1404, %dma_wait3A_1405, %dma_wait3A_1406] : memref<2x256x64xf32, #tpu.memory_space<vmem>> -> memref<1x128x64xf32, #tpu.memory_space<vmem>>
        %dma_wait3A_1408 = tpu.memref_squeeze %dma_wait3A_1407 : memref<1x128x64xf32, #tpu.memory_space<vmem>> -> memref<128x64xf32, #tpu.memory_space<vmem>>
        %dma_wait3A_1409 = arith.constant 0 : i32
        %dma_wait3A_1410 = tpu.memref_slice %arg11[%dma_wait3A_1402, %dma_wait3A_1403, %dma_wait3A_1409] : memref<2x2x128xi32, #tpu.memory_space<vmem>> -> memref<1x1x128xi32, #tpu.memory_space<vmem>>
        %dma_wait3A_1411 = tpu.memref_squeeze %dma_wait3A_1410 : memref<1x1x128xi32, #tpu.memory_space<vmem>> -> memref<128xi32, #tpu.memory_space<vmem>>
        %dma_wait3A_1412 = arith.constant 0 : i32
        %dma_wait3A_1413 = arith.constant 0 : i32
        %dma_wait3A_1414 = tpu.memref_slice %arg6[%dma_wait3A_1412, %dma_wait3A_1413] : memref<40401x64xf32, #tpu.memory_space<hbm>> -> memref<40401x64xf32, #tpu.memory_space<hbm>>
        tpu.wait_indirect_dma semaphore(%arg17 : memref<!tpu.dma_semaphore, #tpu.memory_space<semaphore_mem>>) src(%dma_wait3A_1414 : memref<40401x64xf32, #tpu.memory_space<hbm>>) dst(%dma_wait3A_1408 : memref<128x64xf32, #tpu.memory_space<vmem>>)
        %mul3A_1415 = arith.constant 2 : i32
        %mul3A_1416 = arith.muli %mul3A_1415, %scan3A_189 : i32
        %sub3A = arith.constant 1 : i32
        %sub3A_1417 = arith.subi %mul3A_1416, %sub3A : i32
        %mul3A_1418 = arith.constant 2 : i32
        %mul3A_1419 = arith.muli %sub3A_1417, %mul3A_1418 : i32
        %add3A_1420 = arith.addi %mul3A_2, %mul3A_1419 : i32
        %mul3A_1421 = arith.constant 128 : i32
        %mul3A_1422 = arith.muli %add3A_1420, %mul3A_1421 : i32
        %dma_start3A_1423 = arith.constant 1 : i32
        %dma_start3A_1424 = arith.constant 0 : i32
        %dma_start3A_1425 = arith.constant 0 : i32
        %dma_start3A_1426 = tpu.memref_slice %arg12[%dma_start3A_1423, %dma_start3A_1424, %dma_start3A_1425] : memref<2x256x64xf32, #tpu.memory_space<vmem>> -> memref<1x256x64xf32, #tpu.memory_space<vmem>>
        %dma_start3A_1427 = tpu.memref_squeeze %dma_start3A_1426 : memref<1x256x64xf32, #tpu.memory_space<vmem>> -> memref<256x64xf32, #tpu.memory_space<vmem>>
        %dma_start3A_1428 = arith.constant 0 : i32
        %dma_start3A_1429 = tpu.memref_slice %arg7[%mul3A_1422, %dma_start3A_1428] : memref<819200x128xf32, #tpu.memory_space<hbm>> -> memref<256x64xf32, #tpu.memory_space<hbm>>
        %dma_start3A_1430 = arith.constant 0 : i32
        %dma_start3A_1431 = tpu.memref_slice %arg7[%mul3A_1422, %dma_start3A_1430] : memref<819200x128xf32, #tpu.memory_space<hbm>> -> memref<256x64xf32, #tpu.memory_space<hbm>>
        %dma_start3A_1432 = arith.constant 0 : i32
        %dma_start3A_1433 = arith.constant 0 : i32
        %dma_start3A_1434 = tpu.memref_slice %arg12[%dma_start3A_1423, %dma_start3A_1432, %dma_start3A_1433] : memref<2x256x64xf32, #tpu.memory_space<vmem>> -> memref<1x256x64xf32, #tpu.memory_space<vmem>>
        %dma_start3A_1435 = tpu.memref_squeeze %dma_start3A_1434 : memref<1x256x64xf32, #tpu.memory_space<vmem>> -> memref<256x64xf32, #tpu.memory_space<vmem>>
        tpu.enqueue_dma source(%dma_start3A_1435 : memref<256x64xf32, #tpu.memory_space<vmem>>) target(%dma_start3A_1431 : memref<256x64xf32, #tpu.memory_space<hbm>>) target_semaphore(%arg19 : memref<!tpu.dma_semaphore, #tpu.memory_space<semaphore_mem>>)
        %dma_start3A_1436 = arith.constant 1 : i32
        %dma_start3A_1437 = arith.constant 0 : i32
        %dma_start3A_1438 = arith.constant 0 : i32
        %dma_start3A_1439 = tpu.memref_slice %arg13[%dma_start3A_1436, %dma_start3A_1437, %dma_start3A_1438] : memref<2x256x64xf32, #tpu.memory_space<vmem>> -> memref<1x256x64xf32, #tpu.memory_space<vmem>>
        %dma_start3A_1440 = tpu.memref_squeeze %dma_start3A_1439 : memref<1x256x64xf32, #tpu.memory_space<vmem>> -> memref<256x64xf32, #tpu.memory_space<vmem>>
        %dma_start3A_1441 = arith.constant 64 : i32
        %dma_start3A_1442 = tpu.memref_slice %arg7[%mul3A_1422, %dma_start3A_1441] : memref<819200x128xf32, #tpu.memory_space<hbm>> -> memref<256x64xf32, #tpu.memory_space<hbm>>
        %dma_start3A_1443 = arith.constant 64 : i32
        %dma_start3A_1444 = tpu.memref_slice %arg7[%mul3A_1422, %dma_start3A_1443] : memref<819200x128xf32, #tpu.memory_space<hbm>> -> memref<256x64xf32, #tpu.memory_space<hbm>>
        %dma_start3A_1445 = arith.constant 0 : i32
        %dma_start3A_1446 = arith.constant 0 : i32
        %dma_start3A_1447 = tpu.memref_slice %arg13[%dma_start3A_1436, %dma_start3A_1445, %dma_start3A_1446] : memref<2x256x64xf32, #tpu.memory_space<vmem>> -> memref<1x256x64xf32, #tpu.memory_space<vmem>>
        %dma_start3A_1448 = tpu.memref_squeeze %dma_start3A_1447 : memref<1x256x64xf32, #tpu.memory_space<vmem>> -> memref<256x64xf32, #tpu.memory_space<vmem>>
        tpu.enqueue_dma source(%dma_start3A_1448 : memref<256x64xf32, #tpu.memory_space<vmem>>) target(%dma_start3A_1444 : memref<256x64xf32, #tpu.memory_space<hbm>>) target_semaphore(%arg19 : memref<!tpu.dma_semaphore, #tpu.memory_space<semaphore_mem>>)
      } else {
      }
      %mul3A_709 = arith.constant 2 : i32
      %mul3A_710 = arith.muli %mul3A_709, %scan3A_189 : i32
      %add3A_711 = arith.constant 1 : i32
      %add3A_712 = arith.addi %mul3A_710, %add3A_711 : i32
      %mul3A_713 = arith.constant 2 : i32
      %mul3A_714 = arith.muli %add3A_712, %mul3A_713 : i32
      %add3A_715 = arith.addi %mul3A_2, %mul3A_714 : i32
      %dma_start3A_716 = arith.constant 1 : i32
      %dma_start3A_717 = arith.constant 0 : i32
      %dma_start3A_718 = arith.constant 0 : i32
      %dma_start3A_719 = tpu.memref_slice %arg8[%dma_start3A_716, %dma_start3A_717, %dma_start3A_718] : memref<2x2x128xi32, #tpu.memory_space<vmem>> -> memref<1x2x128xi32, #tpu.memory_space<vmem>>
      %dma_start3A_720 = tpu.memref_squeeze %dma_start3A_719 : memref<1x2x128xi32, #tpu.memory_space<vmem>> -> memref<2x128xi32, #tpu.memory_space<vmem>>
      %dma_start3A_721 = arith.constant 0 : i32
      %dma_start3A_722 = tpu.memref_slice %arg2[%add3A_715, %dma_start3A_721] : memref<6400x128xi32, #tpu.memory_space<hbm>> -> memref<2x128xi32, #tpu.memory_space<hbm>>
      %dma_start3A_723 = arith.constant 0 : i32
      %dma_start3A_724 = arith.constant 0 : i32
      %dma_start3A_725 = tpu.memref_slice %arg8[%dma_start3A_716, %dma_start3A_723, %dma_start3A_724] : memref<2x2x128xi32, #tpu.memory_space<vmem>> -> memref<1x2x128xi32, #tpu.memory_space<vmem>>
      %dma_start3A_726 = tpu.memref_squeeze %dma_start3A_725 : memref<1x2x128xi32, #tpu.memory_space<vmem>> -> memref<2x128xi32, #tpu.memory_space<vmem>>
      %dma_start3A_727 = arith.constant 0 : i32
      %dma_start3A_728 = tpu.memref_slice %arg2[%add3A_715, %dma_start3A_727] : memref<6400x128xi32, #tpu.memory_space<hbm>> -> memref<2x128xi32, #tpu.memory_space<hbm>>
      tpu.enqueue_dma source(%dma_start3A_728 : memref<2x128xi32, #tpu.memory_space<hbm>>) target(%dma_start3A_726 : memref<2x128xi32, #tpu.memory_space<vmem>>) target_semaphore(%arg15 : memref<!tpu.dma_semaphore, #tpu.memory_space<semaphore_mem>>)
      %dma_start3A_729 = arith.constant 1 : i32
      %dma_start3A_730 = arith.constant 0 : i32
      %dma_start3A_731 = arith.constant 0 : i32
      %dma_start3A_732 = tpu.memref_slice %arg9[%dma_start3A_729, %dma_start3A_730, %dma_start3A_731] : memref<2x2x128xi32, #tpu.memory_space<vmem>> -> memref<1x2x128xi32, #tpu.memory_space<vmem>>
      %dma_start3A_733 = tpu.memref_squeeze %dma_start3A_732 : memref<1x2x128xi32, #tpu.memory_space<vmem>> -> memref<2x128xi32, #tpu.memory_space<vmem>>
      %dma_start3A_734 = arith.constant 0 : i32
      %dma_start3A_735 = tpu.memref_slice %arg3[%add3A_715, %dma_start3A_734] : memref<6400x128xi32, #tpu.memory_space<hbm>> -> memref<2x128xi32, #tpu.memory_space<hbm>>
      %dma_start3A_736 = arith.constant 0 : i32
      %dma_start3A_737 = arith.constant 0 : i32
      %dma_start3A_738 = tpu.memref_slice %arg9[%dma_start3A_729, %dma_start3A_736, %dma_start3A_737] : memref<2x2x128xi32, #tpu.memory_space<vmem>> -> memref<1x2x128xi32, #tpu.memory_space<vmem>>
      %dma_start3A_739 = tpu.memref_squeeze %dma_start3A_738 : memref<1x2x128xi32, #tpu.memory_space<vmem>> -> memref<2x128xi32, #tpu.memory_space<vmem>>
      %dma_start3A_740 = arith.constant 0 : i32
      %dma_start3A_741 = tpu.memref_slice %arg3[%add3A_715, %dma_start3A_740] : memref<6400x128xi32, #tpu.memory_space<hbm>> -> memref<2x128xi32, #tpu.memory_space<hbm>>
      tpu.enqueue_dma source(%dma_start3A_741 : memref<2x128xi32, #tpu.memory_space<hbm>>) target(%dma_start3A_739 : memref<2x128xi32, #tpu.memory_space<vmem>>) target_semaphore(%arg15 : memref<!tpu.dma_semaphore, #tpu.memory_space<semaphore_mem>>)
      %dma_start3A_742 = arith.constant 1 : i32
      %dma_start3A_743 = arith.constant 0 : i32
      %dma_start3A_744 = arith.constant 0 : i32
      %dma_start3A_745 = tpu.memref_slice %arg10[%dma_start3A_742, %dma_start3A_743, %dma_start3A_744] : memref<2x2x128xi32, #tpu.memory_space<vmem>> -> memref<1x2x128xi32, #tpu.memory_space<vmem>>
      %dma_start3A_746 = tpu.memref_squeeze %dma_start3A_745 : memref<1x2x128xi32, #tpu.memory_space<vmem>> -> memref<2x128xi32, #tpu.memory_space<vmem>>
      %dma_start3A_747 = arith.constant 0 : i32
      %dma_start3A_748 = tpu.memref_slice %arg4[%add3A_715, %dma_start3A_747] : memref<6400x128xi32, #tpu.memory_space<hbm>> -> memref<2x128xi32, #tpu.memory_space<hbm>>
      %dma_start3A_749 = arith.constant 0 : i32
      %dma_start3A_750 = arith.constant 0 : i32
      %dma_start3A_751 = tpu.memref_slice %arg10[%dma_start3A_742, %dma_start3A_749, %dma_start3A_750] : memref<2x2x128xi32, #tpu.memory_space<vmem>> -> memref<1x2x128xi32, #tpu.memory_space<vmem>>
      %dma_start3A_752 = tpu.memref_squeeze %dma_start3A_751 : memref<1x2x128xi32, #tpu.memory_space<vmem>> -> memref<2x128xi32, #tpu.memory_space<vmem>>
      %dma_start3A_753 = arith.constant 0 : i32
      %dma_start3A_754 = tpu.memref_slice %arg4[%add3A_715, %dma_start3A_753] : memref<6400x128xi32, #tpu.memory_space<hbm>> -> memref<2x128xi32, #tpu.memory_space<hbm>>
      tpu.enqueue_dma source(%dma_start3A_754 : memref<2x128xi32, #tpu.memory_space<hbm>>) target(%dma_start3A_752 : memref<2x128xi32, #tpu.memory_space<vmem>>) target_semaphore(%arg15 : memref<!tpu.dma_semaphore, #tpu.memory_space<semaphore_mem>>)
      %mul3A_755 = arith.constant 2 : i32
      %mul3A_756 = arith.muli %mul3A_755, %scan3A_189 : i32
      %add3A_757 = arith.constant 1 : i32
      %add3A_758 = arith.addi %mul3A_756, %add3A_757 : i32
      %ge3A_759 = arith.constant 1 : i32
      %ge3A_760 = arith.cmpi sge, %scan3A_189, %ge3A_759 : i32
      %convert_element_type3A_761 = arith.extui %ge3A_760 : i1 to i32
      %cond3A_762 = arith.constant 0 : i32
      %cond3A_763 = arith.cmpi ne, %convert_element_type3A_761, %cond3A_762 : i32
      scf.if %cond3A_763 {
        %sub3A = arith.constant 2 : i32
        %sub3A_1363 = arith.subi %add3A_758, %sub3A : i32
        %mul3A_1364 = arith.constant 2 : i32
        %mul3A_1365 = arith.muli %sub3A_1363, %mul3A_1364 : i32
        %add3A_1366 = arith.addi %mul3A_2, %mul3A_1365 : i32
        %mul3A_1367 = arith.constant 128 : i32
        %mul3A_1368 = arith.muli %add3A_1366, %mul3A_1367 : i32
        %dma_wait3A_1369 = arith.constant 1 : i32
        %dma_wait3A_1370 = arith.constant 0 : i32
        %dma_wait3A_1371 = arith.constant 0 : i32
        %dma_wait3A_1372 = tpu.memref_slice %arg12[%dma_wait3A_1369, %dma_wait3A_1370, %dma_wait3A_1371] : memref<2x256x64xf32, #tpu.memory_space<vmem>> -> memref<1x256x64xf32, #tpu.memory_space<vmem>>
        %dma_wait3A_1373 = tpu.memref_squeeze %dma_wait3A_1372 : memref<1x256x64xf32, #tpu.memory_space<vmem>> -> memref<256x64xf32, #tpu.memory_space<vmem>>
        %dma_wait3A_1374 = arith.constant 0 : i32
        %dma_wait3A_1375 = tpu.memref_slice %arg7[%mul3A_1368, %dma_wait3A_1374] : memref<819200x128xf32, #tpu.memory_space<hbm>> -> memref<256x64xf32, #tpu.memory_space<hbm>>
        %dma_wait3A_1376 = arith.constant 0 : i32
        %dma_wait3A_1377 = tpu.memref_slice %arg7[%mul3A_1368, %dma_wait3A_1376] : memref<819200x128xf32, #tpu.memory_space<hbm>> -> memref<256x64xf32, #tpu.memory_space<hbm>>
        %dma_wait3A_1378 = arith.constant 0 : i32
        %dma_wait3A_1379 = arith.constant 0 : i32
        %dma_wait3A_1380 = tpu.memref_slice %arg12[%dma_wait3A_1369, %dma_wait3A_1378, %dma_wait3A_1379] : memref<2x256x64xf32, #tpu.memory_space<vmem>> -> memref<1x256x64xf32, #tpu.memory_space<vmem>>
        %dma_wait3A_1381 = tpu.memref_squeeze %dma_wait3A_1380 : memref<1x256x64xf32, #tpu.memory_space<vmem>> -> memref<256x64xf32, #tpu.memory_space<vmem>>
        tpu.wait_dma2 semaphore(%arg19 : memref<!tpu.dma_semaphore, #tpu.memory_space<semaphore_mem>>) src(%dma_wait3A_1381 : memref<256x64xf32, #tpu.memory_space<vmem>>) dst(%dma_wait3A_1377 : memref<256x64xf32, #tpu.memory_space<hbm>>)
        %dma_wait3A_1382 = arith.constant 1 : i32
        %dma_wait3A_1383 = arith.constant 0 : i32
        %dma_wait3A_1384 = arith.constant 0 : i32
        %dma_wait3A_1385 = tpu.memref_slice %arg13[%dma_wait3A_1382, %dma_wait3A_1383, %dma_wait3A_1384] : memref<2x256x64xf32, #tpu.memory_space<vmem>> -> memref<1x256x64xf32, #tpu.memory_space<vmem>>
        %dma_wait3A_1386 = tpu.memref_squeeze %dma_wait3A_1385 : memref<1x256x64xf32, #tpu.memory_space<vmem>> -> memref<256x64xf32, #tpu.memory_space<vmem>>
        %dma_wait3A_1387 = arith.constant 64 : i32
        %dma_wait3A_1388 = tpu.memref_slice %arg7[%mul3A_1368, %dma_wait3A_1387] : memref<819200x128xf32, #tpu.memory_space<hbm>> -> memref<256x64xf32, #tpu.memory_space<hbm>>
        %dma_wait3A_1389 = arith.constant 64 : i32
        %dma_wait3A_1390 = tpu.memref_slice %arg7[%mul3A_1368, %dma_wait3A_1389] : memref<819200x128xf32, #tpu.memory_space<hbm>> -> memref<256x64xf32, #tpu.memory_space<hbm>>
        %dma_wait3A_1391 = arith.constant 0 : i32
        %dma_wait3A_1392 = arith.constant 0 : i32
        %dma_wait3A_1393 = tpu.memref_slice %arg13[%dma_wait3A_1382, %dma_wait3A_1391, %dma_wait3A_1392] : memref<2x256x64xf32, #tpu.memory_space<vmem>> -> memref<1x256x64xf32, #tpu.memory_space<vmem>>
        %dma_wait3A_1394 = tpu.memref_squeeze %dma_wait3A_1393 : memref<1x256x64xf32, #tpu.memory_space<vmem>> -> memref<256x64xf32, #tpu.memory_space<vmem>>
        tpu.wait_dma2 semaphore(%arg19 : memref<!tpu.dma_semaphore, #tpu.memory_space<semaphore_mem>>) src(%dma_wait3A_1394 : memref<256x64xf32, #tpu.memory_space<vmem>>) dst(%dma_wait3A_1390 : memref<256x64xf32, #tpu.memory_space<hbm>>)
      } else {
      }
      %mul3A_764 = arith.constant 2 : i32
      %mul3A_765 = arith.muli %add3A_758, %mul3A_764 : i32
      %add3A_766 = arith.addi %mul3A_2, %mul3A_765 : i32
      %dma_wait3A_767 = arith.constant 1 : i32
      %dma_wait3A_768 = arith.constant 0 : i32
      %dma_wait3A_769 = arith.constant 0 : i32
      %dma_wait3A_770 = tpu.memref_slice %arg8[%dma_wait3A_767, %dma_wait3A_768, %dma_wait3A_769] : memref<2x2x128xi32, #tpu.memory_space<vmem>> -> memref<1x2x128xi32, #tpu.memory_space<vmem>>
      %dma_wait3A_771 = tpu.memref_squeeze %dma_wait3A_770 : memref<1x2x128xi32, #tpu.memory_space<vmem>> -> memref<2x128xi32, #tpu.memory_space<vmem>>
      %dma_wait3A_772 = arith.constant 0 : i32
      %dma_wait3A_773 = tpu.memref_slice %arg2[%add3A_766, %dma_wait3A_772] : memref<6400x128xi32, #tpu.memory_space<hbm>> -> memref<2x128xi32, #tpu.memory_space<hbm>>
      %dma_wait3A_774 = arith.constant 0 : i32
      %dma_wait3A_775 = arith.constant 0 : i32
      %dma_wait3A_776 = tpu.memref_slice %arg8[%dma_wait3A_767, %dma_wait3A_774, %dma_wait3A_775] : memref<2x2x128xi32, #tpu.memory_space<vmem>> -> memref<1x2x128xi32, #tpu.memory_space<vmem>>
      %dma_wait3A_777 = tpu.memref_squeeze %dma_wait3A_776 : memref<1x2x128xi32, #tpu.memory_space<vmem>> -> memref<2x128xi32, #tpu.memory_space<vmem>>
      %dma_wait3A_778 = arith.constant 0 : i32
      %dma_wait3A_779 = tpu.memref_slice %arg2[%add3A_766, %dma_wait3A_778] : memref<6400x128xi32, #tpu.memory_space<hbm>> -> memref<2x128xi32, #tpu.memory_space<hbm>>
      tpu.wait_dma2 semaphore(%arg15 : memref<!tpu.dma_semaphore, #tpu.memory_space<semaphore_mem>>) src(%dma_wait3A_779 : memref<2x128xi32, #tpu.memory_space<hbm>>) dst(%dma_wait3A_777 : memref<2x128xi32, #tpu.memory_space<vmem>>)
      %dma_wait3A_780 = arith.constant 1 : i32
      %dma_wait3A_781 = arith.constant 0 : i32
      %dma_wait3A_782 = arith.constant 0 : i32
      %dma_wait3A_783 = tpu.memref_slice %arg9[%dma_wait3A_780, %dma_wait3A_781, %dma_wait3A_782] : memref<2x2x128xi32, #tpu.memory_space<vmem>> -> memref<1x2x128xi32, #tpu.memory_space<vmem>>
      %dma_wait3A_784 = tpu.memref_squeeze %dma_wait3A_783 : memref<1x2x128xi32, #tpu.memory_space<vmem>> -> memref<2x128xi32, #tpu.memory_space<vmem>>
      %dma_wait3A_785 = arith.constant 0 : i32
      %dma_wait3A_786 = tpu.memref_slice %arg3[%add3A_766, %dma_wait3A_785] : memref<6400x128xi32, #tpu.memory_space<hbm>> -> memref<2x128xi32, #tpu.memory_space<hbm>>
      %dma_wait3A_787 = arith.constant 0 : i32
      %dma_wait3A_788 = arith.constant 0 : i32
      %dma_wait3A_789 = tpu.memref_slice %arg9[%dma_wait3A_780, %dma_wait3A_787, %dma_wait3A_788] : memref<2x2x128xi32, #tpu.memory_space<vmem>> -> memref<1x2x128xi32, #tpu.memory_space<vmem>>
      %dma_wait3A_790 = tpu.memref_squeeze %dma_wait3A_789 : memref<1x2x128xi32, #tpu.memory_space<vmem>> -> memref<2x128xi32, #tpu.memory_space<vmem>>
      %dma_wait3A_791 = arith.constant 0 : i32
      %dma_wait3A_792 = tpu.memref_slice %arg3[%add3A_766, %dma_wait3A_791] : memref<6400x128xi32, #tpu.memory_space<hbm>> -> memref<2x128xi32, #tpu.memory_space<hbm>>
      tpu.wait_dma2 semaphore(%arg15 : memref<!tpu.dma_semaphore, #tpu.memory_space<semaphore_mem>>) src(%dma_wait3A_792 : memref<2x128xi32, #tpu.memory_space<hbm>>) dst(%dma_wait3A_790 : memref<2x128xi32, #tpu.memory_space<vmem>>)
      %dma_wait3A_793 = arith.constant 1 : i32
      %dma_wait3A_794 = arith.constant 0 : i32
      %dma_wait3A_795 = arith.constant 0 : i32
      %dma_wait3A_796 = tpu.memref_slice %arg10[%dma_wait3A_793, %dma_wait3A_794, %dma_wait3A_795] : memref<2x2x128xi32, #tpu.memory_space<vmem>> -> memref<1x2x128xi32, #tpu.memory_space<vmem>>
      %dma_wait3A_797 = tpu.memref_squeeze %dma_wait3A_796 : memref<1x2x128xi32, #tpu.memory_space<vmem>> -> memref<2x128xi32, #tpu.memory_space<vmem>>
      %dma_wait3A_798 = arith.constant 0 : i32
      %dma_wait3A_799 = tpu.memref_slice %arg4[%add3A_766, %dma_wait3A_798] : memref<6400x128xi32, #tpu.memory_space<hbm>> -> memref<2x128xi32, #tpu.memory_space<hbm>>
      %dma_wait3A_800 = arith.constant 0 : i32
      %dma_wait3A_801 = arith.constant 0 : i32
      %dma_wait3A_802 = tpu.memref_slice %arg10[%dma_wait3A_793, %dma_wait3A_800, %dma_wait3A_801] : memref<2x2x128xi32, #tpu.memory_space<vmem>> -> memref<1x2x128xi32, #tpu.memory_space<vmem>>
      %dma_wait3A_803 = tpu.memref_squeeze %dma_wait3A_802 : memref<1x2x128xi32, #tpu.memory_space<vmem>> -> memref<2x128xi32, #tpu.memory_space<vmem>>
      %dma_wait3A_804 = arith.constant 0 : i32
      %dma_wait3A_805 = tpu.memref_slice %arg4[%add3A_766, %dma_wait3A_804] : memref<6400x128xi32, #tpu.memory_space<hbm>> -> memref<2x128xi32, #tpu.memory_space<hbm>>
      tpu.wait_dma2 semaphore(%arg15 : memref<!tpu.dma_semaphore, #tpu.memory_space<semaphore_mem>>) src(%dma_wait3A_805 : memref<2x128xi32, #tpu.memory_space<hbm>>) dst(%dma_wait3A_803 : memref<2x128xi32, #tpu.memory_space<vmem>>)
      %get3A_806 = arith.constant 1 : i32
      %get3A_807 = arith.constant 0 : i32
      %get3A_808 = arith.index_cast %get3A_806 : i32 to index
      %get3A_809 = arith.index_cast %get3A_807 : i32 to index
      %get3A_810 = arith.constant 0 : index
      %get3A_811 = tpu.vector_load %arg9[%get3A_808, %get3A_809, %get3A_810] {strides = array<i32>} : memref<2x2x128xi32, #tpu.memory_space<vmem>>, vector<1x1x16xi32>,
      %get3A_812 = vector.shape_cast %get3A_811 : vector<1x1x16xi32> to vector<16xi32>
      %get3A_813 = arith.constant 1 : i32
      %get3A_814 = arith.constant 0 : i32
      %get3A_815 = arith.index_cast %get3A_813 : i32 to index
      %get3A_816 = arith.index_cast %get3A_814 : i32 to index
      %get3A_817 = arith.constant 0 : index
      %get3A_818 = tpu.vector_load %arg10[%get3A_815, %get3A_816, %get3A_817] {strides = array<i32>} : memref<2x2x128xi32, #tpu.memory_space<vmem>>, vector<1x1x16xi32>,
      %get3A_819 = vector.shape_cast %get3A_818 : vector<1x1x16xi32> to vector<16xi32>
      %mul3A_820 = arith.constant 201 : i32
      %mul3A_821 = vector.broadcast %mul3A_820 : i32 to vector<16xi32>
      %mul3A_822 = arith.muli %get3A_812, %mul3A_821 : vector<16xi32>
      %add3A_823 = arith.addi %mul3A_822, %get3A_819 : vector<16xi32>
      %swap3A_824 = arith.constant 1 : i32
      %swap3A_825 = arith.constant 0 : i32
      %swap3A_826 = arith.index_cast %swap3A_824 : i32 to index
      %swap3A_827 = arith.index_cast %swap3A_825 : i32 to index
      %swap3A_828 = arith.constant 0 : index
      %swap3A_829 = tpu.vector_load %arg11[%swap3A_826, %swap3A_827, %swap3A_828] {strides = array<i32>} : memref<2x2x128xi32, #tpu.memory_space<vmem>>, vector<1x1x16xi32>,
      %swap3A_830 = vector.shape_cast %swap3A_829 : vector<1x1x16xi32> to vector<16xi32>
      %swap3A_831 = vector.shape_cast %add3A_823 : vector<16xi32> to vector<1x1x16xi32>
      tpu.vector_store %arg11[%swap3A_826, %swap3A_827, %swap3A_828], %swap3A_831 {strides = array<i32>} : memref<2x2x128xi32, #tpu.memory_space<vmem>>, vector<1x1x16xi32>,
      %get3A_832 = arith.constant 1 : i32
      %get3A_833 = arith.constant 0 : i32
      %get3A_834 = arith.index_cast %get3A_832 : i32 to index
      %get3A_835 = arith.index_cast %get3A_833 : i32 to index
      %get3A_836 = arith.constant 16 : index
      %get3A_837 = tpu.vector_load %arg9[%get3A_834, %get3A_835, %get3A_836] {strides = array<i32>} : memref<2x2x128xi32, #tpu.memory_space<vmem>>, vector<1x1x16xi32>,
      %get3A_838 = vector.shape_cast %get3A_837 : vector<1x1x16xi32> to vector<16xi32>
      %get3A_839 = arith.constant 1 : i32
      %get3A_840 = arith.constant 0 : i32
      %get3A_841 = arith.index_cast %get3A_839 : i32 to index
      %get3A_842 = arith.index_cast %get3A_840 : i32 to index
      %get3A_843 = arith.constant 16 : index
      %get3A_844 = tpu.vector_load %arg10[%get3A_841, %get3A_842, %get3A_843] {strides = array<i32>} : memref<2x2x128xi32, #tpu.memory_space<vmem>>, vector<1x1x16xi32>,
      %get3A_845 = vector.shape_cast %get3A_844 : vector<1x1x16xi32> to vector<16xi32>
      %mul3A_846 = arith.constant 201 : i32
      %mul3A_847 = vector.broadcast %mul3A_846 : i32 to vector<16xi32>
      %mul3A_848 = arith.muli %get3A_838, %mul3A_847 : vector<16xi32>
      %add3A_849 = arith.addi %mul3A_848, %get3A_845 : vector<16xi32>
      %swap3A_850 = arith.constant 1 : i32
      %swap3A_851 = arith.constant 0 : i32
      %swap3A_852 = arith.index_cast %swap3A_850 : i32 to index
      %swap3A_853 = arith.index_cast %swap3A_851 : i32 to index
      %swap3A_854 = arith.constant 16 : index
      %swap3A_855 = tpu.vector_load %arg11[%swap3A_852, %swap3A_853, %swap3A_854] {strides = array<i32>} : memref<2x2x128xi32, #tpu.memory_space<vmem>>, vector<1x1x16xi32>,
      %swap3A_856 = vector.shape_cast %swap3A_855 : vector<1x1x16xi32> to vector<16xi32>
      %swap3A_857 = vector.shape_cast %add3A_849 : vector<16xi32> to vector<1x1x16xi32>
      tpu.vector_store %arg11[%swap3A_852, %swap3A_853, %swap3A_854], %swap3A_857 {strides = array<i32>} : memref<2x2x128xi32, #tpu.memory_space<vmem>>, vector<1x1x16xi32>,
      %get3A_858 = arith.constant 1 : i32
      %get3A_859 = arith.constant 0 : i32
      %get3A_860 = arith.index_cast %get3A_858 : i32 to index
      %get3A_861 = arith.index_cast %get3A_859 : i32 to index
      %get3A_862 = arith.constant 32 : index
      %get3A_863 = tpu.vector_load %arg9[%get3A_860, %get3A_861, %get3A_862] {strides = array<i32>} : memref<2x2x128xi32, #tpu.memory_space<vmem>>, vector<1x1x16xi32>,
      %get3A_864 = vector.shape_cast %get3A_863 : vector<1x1x16xi32> to vector<16xi32>
      %get3A_865 = arith.constant 1 : i32
      %get3A_866 = arith.constant 0 : i32
      %get3A_867 = arith.index_cast %get3A_865 : i32 to index
      %get3A_868 = arith.index_cast %get3A_866 : i32 to index
      %get3A_869 = arith.constant 32 : index
      %get3A_870 = tpu.vector_load %arg10[%get3A_867, %get3A_868, %get3A_869] {strides = array<i32>} : memref<2x2x128xi32, #tpu.memory_space<vmem>>, vector<1x1x16xi32>,
      %get3A_871 = vector.shape_cast %get3A_870 : vector<1x1x16xi32> to vector<16xi32>
      %mul3A_872 = arith.constant 201 : i32
      %mul3A_873 = vector.broadcast %mul3A_872 : i32 to vector<16xi32>
      %mul3A_874 = arith.muli %get3A_864, %mul3A_873 : vector<16xi32>
      %add3A_875 = arith.addi %mul3A_874, %get3A_871 : vector<16xi32>
      %swap3A_876 = arith.constant 1 : i32
      %swap3A_877 = arith.constant 0 : i32
      %swap3A_878 = arith.index_cast %swap3A_876 : i32 to index
      %swap3A_879 = arith.index_cast %swap3A_877 : i32 to index
      %swap3A_880 = arith.constant 32 : index
      %swap3A_881 = tpu.vector_load %arg11[%swap3A_878, %swap3A_879, %swap3A_880] {strides = array<i32>} : memref<2x2x128xi32, #tpu.memory_space<vmem>>, vector<1x1x16xi32>,
      %swap3A_882 = vector.shape_cast %swap3A_881 : vector<1x1x16xi32> to vector<16xi32>
      %swap3A_883 = vector.shape_cast %add3A_875 : vector<16xi32> to vector<1x1x16xi32>
      tpu.vector_store %arg11[%swap3A_878, %swap3A_879, %swap3A_880], %swap3A_883 {strides = array<i32>} : memref<2x2x128xi32, #tpu.memory_space<vmem>>, vector<1x1x16xi32>,
      %get3A_884 = arith.constant 1 : i32
      %get3A_885 = arith.constant 0 : i32
      %get3A_886 = arith.index_cast %get3A_884 : i32 to index
      %get3A_887 = arith.index_cast %get3A_885 : i32 to index
      %get3A_888 = arith.constant 48 : index
      %get3A_889 = tpu.vector_load %arg9[%get3A_886, %get3A_887, %get3A_888] {strides = array<i32>} : memref<2x2x128xi32, #tpu.memory_space<vmem>>, vector<1x1x16xi32>,
      %get3A_890 = vector.shape_cast %get3A_889 : vector<1x1x16xi32> to vector<16xi32>
      %get3A_891 = arith.constant 1 : i32
      %get3A_892 = arith.constant 0 : i32
      %get3A_893 = arith.index_cast %get3A_891 : i32 to index
      %get3A_894 = arith.index_cast %get3A_892 : i32 to index
      %get3A_895 = arith.constant 48 : index
      %get3A_896 = tpu.vector_load %arg10[%get3A_893, %get3A_894, %get3A_895] {strides = array<i32>} : memref<2x2x128xi32, #tpu.memory_space<vmem>>, vector<1x1x16xi32>,
      %get3A_897 = vector.shape_cast %get3A_896 : vector<1x1x16xi32> to vector<16xi32>
      %mul3A_898 = arith.constant 201 : i32
      %mul3A_899 = vector.broadcast %mul3A_898 : i32 to vector<16xi32>
      %mul3A_900 = arith.muli %get3A_890, %mul3A_899 : vector<16xi32>
      %add3A_901 = arith.addi %mul3A_900, %get3A_897 : vector<16xi32>
      %swap3A_902 = arith.constant 1 : i32
      %swap3A_903 = arith.constant 0 : i32
      %swap3A_904 = arith.index_cast %swap3A_902 : i32 to index
      %swap3A_905 = arith.index_cast %swap3A_903 : i32 to index
      %swap3A_906 = arith.constant 48 : index
      %swap3A_907 = tpu.vector_load %arg11[%swap3A_904, %swap3A_905, %swap3A_906] {strides = array<i32>} : memref<2x2x128xi32, #tpu.memory_space<vmem>>, vector<1x1x16xi32>,
      %swap3A_908 = vector.shape_cast %swap3A_907 : vector<1x1x16xi32> to vector<16xi32>
      %swap3A_909 = vector.shape_cast %add3A_901 : vector<16xi32> to vector<1x1x16xi32>
      tpu.vector_store %arg11[%swap3A_904, %swap3A_905, %swap3A_906], %swap3A_909 {strides = array<i32>} : memref<2x2x128xi32, #tpu.memory_space<vmem>>, vector<1x1x16xi32>,
      %get3A_910 = arith.constant 1 : i32
      %get3A_911 = arith.constant 0 : i32
      %get3A_912 = arith.index_cast %get3A_910 : i32 to index
      %get3A_913 = arith.index_cast %get3A_911 : i32 to index
      %get3A_914 = arith.constant 64 : index
      %get3A_915 = tpu.vector_load %arg9[%get3A_912, %get3A_913, %get3A_914] {strides = array<i32>} : memref<2x2x128xi32, #tpu.memory_space<vmem>>, vector<1x1x16xi32>,
      %get3A_916 = vector.shape_cast %get3A_915 : vector<1x1x16xi32> to vector<16xi32>
      %get3A_917 = arith.constant 1 : i32
      %get3A_918 = arith.constant 0 : i32
      %get3A_919 = arith.index_cast %get3A_917 : i32 to index
      %get3A_920 = arith.index_cast %get3A_918 : i32 to index
      %get3A_921 = arith.constant 64 : index
      %get3A_922 = tpu.vector_load %arg10[%get3A_919, %get3A_920, %get3A_921] {strides = array<i32>} : memref<2x2x128xi32, #tpu.memory_space<vmem>>, vector<1x1x16xi32>,
      %get3A_923 = vector.shape_cast %get3A_922 : vector<1x1x16xi32> to vector<16xi32>
      %mul3A_924 = arith.constant 201 : i32
      %mul3A_925 = vector.broadcast %mul3A_924 : i32 to vector<16xi32>
      %mul3A_926 = arith.muli %get3A_916, %mul3A_925 : vector<16xi32>
      %add3A_927 = arith.addi %mul3A_926, %get3A_923 : vector<16xi32>
      %swap3A_928 = arith.constant 1 : i32
      %swap3A_929 = arith.constant 0 : i32
      %swap3A_930 = arith.index_cast %swap3A_928 : i32 to index
      %swap3A_931 = arith.index_cast %swap3A_929 : i32 to index
      %swap3A_932 = arith.constant 64 : index
      %swap3A_933 = tpu.vector_load %arg11[%swap3A_930, %swap3A_931, %swap3A_932] {strides = array<i32>} : memref<2x2x128xi32, #tpu.memory_space<vmem>>, vector<1x1x16xi32>,
      %swap3A_934 = vector.shape_cast %swap3A_933 : vector<1x1x16xi32> to vector<16xi32>
      %swap3A_935 = vector.shape_cast %add3A_927 : vector<16xi32> to vector<1x1x16xi32>
      tpu.vector_store %arg11[%swap3A_930, %swap3A_931, %swap3A_932], %swap3A_935 {strides = array<i32>} : memref<2x2x128xi32, #tpu.memory_space<vmem>>, vector<1x1x16xi32>,
      %get3A_936 = arith.constant 1 : i32
      %get3A_937 = arith.constant 0 : i32
      %get3A_938 = arith.index_cast %get3A_936 : i32 to index
      %get3A_939 = arith.index_cast %get3A_937 : i32 to index
      %get3A_940 = arith.constant 80 : index
      %get3A_941 = tpu.vector_load %arg9[%get3A_938, %get3A_939, %get3A_940] {strides = array<i32>} : memref<2x2x128xi32, #tpu.memory_space<vmem>>, vector<1x1x16xi32>,
      %get3A_942 = vector.shape_cast %get3A_941 : vector<1x1x16xi32> to vector<16xi32>
      %get3A_943 = arith.constant 1 : i32
      %get3A_944 = arith.constant 0 : i32
      %get3A_945 = arith.index_cast %get3A_943 : i32 to index
      %get3A_946 = arith.index_cast %get3A_944 : i32 to index
      %get3A_947 = arith.constant 80 : index
      %get3A_948 = tpu.vector_load %arg10[%get3A_945, %get3A_946, %get3A_947] {strides = array<i32>} : memref<2x2x128xi32, #tpu.memory_space<vmem>>, vector<1x1x16xi32>,
      %get3A_949 = vector.shape_cast %get3A_948 : vector<1x1x16xi32> to vector<16xi32>
      %mul3A_950 = arith.constant 201 : i32
      %mul3A_951 = vector.broadcast %mul3A_950 : i32 to vector<16xi32>
      %mul3A_952 = arith.muli %get3A_942, %mul3A_951 : vector<16xi32>
      %add3A_953 = arith.addi %mul3A_952, %get3A_949 : vector<16xi32>
      %swap3A_954 = arith.constant 1 : i32
      %swap3A_955 = arith.constant 0 : i32
      %swap3A_956 = arith.index_cast %swap3A_954 : i32 to index
      %swap3A_957 = arith.index_cast %swap3A_955 : i32 to index
      %swap3A_958 = arith.constant 80 : index
      %swap3A_959 = tpu.vector_load %arg11[%swap3A_956, %swap3A_957, %swap3A_958] {strides = array<i32>} : memref<2x2x128xi32, #tpu.memory_space<vmem>>, vector<1x1x16xi32>,
      %swap3A_960 = vector.shape_cast %swap3A_959 : vector<1x1x16xi32> to vector<16xi32>
      %swap3A_961 = vector.shape_cast %add3A_953 : vector<16xi32> to vector<1x1x16xi32>
      tpu.vector_store %arg11[%swap3A_956, %swap3A_957, %swap3A_958], %swap3A_961 {strides = array<i32>} : memref<2x2x128xi32, #tpu.memory_space<vmem>>, vector<1x1x16xi32>,
      %get3A_962 = arith.constant 1 : i32
      %get3A_963 = arith.constant 0 : i32
      %get3A_964 = arith.index_cast %get3A_962 : i32 to index
      %get3A_965 = arith.index_cast %get3A_963 : i32 to index
      %get3A_966 = arith.constant 96 : index
      %get3A_967 = tpu.vector_load %arg9[%get3A_964, %get3A_965, %get3A_966] {strides = array<i32>} : memref<2x2x128xi32, #tpu.memory_space<vmem>>, vector<1x1x16xi32>,
      %get3A_968 = vector.shape_cast %get3A_967 : vector<1x1x16xi32> to vector<16xi32>
      %get3A_969 = arith.constant 1 : i32
      %get3A_970 = arith.constant 0 : i32
      %get3A_971 = arith.index_cast %get3A_969 : i32 to index
      %get3A_972 = arith.index_cast %get3A_970 : i32 to index
      %get3A_973 = arith.constant 96 : index
      %get3A_974 = tpu.vector_load %arg10[%get3A_971, %get3A_972, %get3A_973] {strides = array<i32>} : memref<2x2x128xi32, #tpu.memory_space<vmem>>, vector<1x1x16xi32>,
      %get3A_975 = vector.shape_cast %get3A_974 : vector<1x1x16xi32> to vector<16xi32>
      %mul3A_976 = arith.constant 201 : i32
      %mul3A_977 = vector.broadcast %mul3A_976 : i32 to vector<16xi32>
      %mul3A_978 = arith.muli %get3A_968, %mul3A_977 : vector<16xi32>
      %add3A_979 = arith.addi %mul3A_978, %get3A_975 : vector<16xi32>
      %swap3A_980 = arith.constant 1 : i32
      %swap3A_981 = arith.constant 0 : i32
      %swap3A_982 = arith.index_cast %swap3A_980 : i32 to index
      %swap3A_983 = arith.index_cast %swap3A_981 : i32 to index
      %swap3A_984 = arith.constant 96 : index
      %swap3A_985 = tpu.vector_load %arg11[%swap3A_982, %swap3A_983, %swap3A_984] {strides = array<i32>} : memref<2x2x128xi32, #tpu.memory_space<vmem>>, vector<1x1x16xi32>,
      %swap3A_986 = vector.shape_cast %swap3A_985 : vector<1x1x16xi32> to vector<16xi32>
      %swap3A_987 = vector.shape_cast %add3A_979 : vector<16xi32> to vector<1x1x16xi32>
      tpu.vector_store %arg11[%swap3A_982, %swap3A_983, %swap3A_984], %swap3A_987 {strides = array<i32>} : memref<2x2x128xi32, #tpu.memory_space<vmem>>, vector<1x1x16xi32>,
      %get3A_988 = arith.constant 1 : i32
      %get3A_989 = arith.constant 0 : i32
      %get3A_990 = arith.index_cast %get3A_988 : i32 to index
      %get3A_991 = arith.index_cast %get3A_989 : i32 to index
      %get3A_992 = arith.constant 112 : index
      %get3A_993 = tpu.vector_load %arg9[%get3A_990, %get3A_991, %get3A_992] {strides = array<i32>} : memref<2x2x128xi32, #tpu.memory_space<vmem>>, vector<1x1x16xi32>,
      %get3A_994 = vector.shape_cast %get3A_993 : vector<1x1x16xi32> to vector<16xi32>
      %get3A_995 = arith.constant 1 : i32
      %get3A_996 = arith.constant 0 : i32
      %get3A_997 = arith.index_cast %get3A_995 : i32 to index
      %get3A_998 = arith.index_cast %get3A_996 : i32 to index
      %get3A_999 = arith.constant 112 : index
      %get3A_1000 = tpu.vector_load %arg10[%get3A_997, %get3A_998, %get3A_999] {strides = array<i32>} : memref<2x2x128xi32, #tpu.memory_space<vmem>>, vector<1x1x16xi32>,
      %get3A_1001 = vector.shape_cast %get3A_1000 : vector<1x1x16xi32> to vector<16xi32>
      %mul3A_1002 = arith.constant 201 : i32
      %mul3A_1003 = vector.broadcast %mul3A_1002 : i32 to vector<16xi32>
      %mul3A_1004 = arith.muli %get3A_994, %mul3A_1003 : vector<16xi32>
      %add3A_1005 = arith.addi %mul3A_1004, %get3A_1001 : vector<16xi32>
      %swap3A_1006 = arith.constant 1 : i32
      %swap3A_1007 = arith.constant 0 : i32
      %swap3A_1008 = arith.index_cast %swap3A_1006 : i32 to index
      %swap3A_1009 = arith.index_cast %swap3A_1007 : i32 to index
      %swap3A_1010 = arith.constant 112 : index
      %swap3A_1011 = tpu.vector_load %arg11[%swap3A_1008, %swap3A_1009, %swap3A_1010] {strides = array<i32>} : memref<2x2x128xi32, #tpu.memory_space<vmem>>, vector<1x1x16xi32>,
      %swap3A_1012 = vector.shape_cast %swap3A_1011 : vector<1x1x16xi32> to vector<16xi32>
      %swap3A_1013 = vector.shape_cast %add3A_1005 : vector<16xi32> to vector<1x1x16xi32>
      tpu.vector_store %arg11[%swap3A_1008, %swap3A_1009, %swap3A_1010], %swap3A_1013 {strides = array<i32>} : memref<2x2x128xi32, #tpu.memory_space<vmem>>, vector<1x1x16xi32>,
      %get3A_1014 = arith.constant 1 : i32
      %get3A_1015 = arith.constant 1 : i32
      %get3A_1016 = arith.index_cast %get3A_1014 : i32 to index
      %get3A_1017 = arith.index_cast %get3A_1015 : i32 to index
      %get3A_1018 = arith.constant 0 : index
      %get3A_1019 = tpu.vector_load %arg9[%get3A_1016, %get3A_1017, %get3A_1018] {strides = array<i32>} : memref<2x2x128xi32, #tpu.memory_space<vmem>>, vector<1x1x16xi32>,
      %get3A_1020 = vector.shape_cast %get3A_1019 : vector<1x1x16xi32> to vector<16xi32>
      %get3A_1021 = arith.constant 1 : i32
      %get3A_1022 = arith.constant 1 : i32
      %get3A_1023 = arith.index_cast %get3A_1021 : i32 to index
      %get3A_1024 = arith.index_cast %get3A_1022 : i32 to index
      %get3A_1025 = arith.constant 0 : index
      %get3A_1026 = tpu.vector_load %arg10[%get3A_1023, %get3A_1024, %get3A_1025] {strides = array<i32>} : memref<2x2x128xi32, #tpu.memory_space<vmem>>, vector<1x1x16xi32>,
      %get3A_1027 = vector.shape_cast %get3A_1026 : vector<1x1x16xi32> to vector<16xi32>
      %mul3A_1028 = arith.constant 201 : i32
      %mul3A_1029 = vector.broadcast %mul3A_1028 : i32 to vector<16xi32>
      %mul3A_1030 = arith.muli %get3A_1020, %mul3A_1029 : vector<16xi32>
      %add3A_1031 = arith.addi %mul3A_1030, %get3A_1027 : vector<16xi32>
      %swap3A_1032 = arith.constant 1 : i32
      %swap3A_1033 = arith.constant 1 : i32
      %swap3A_1034 = arith.index_cast %swap3A_1032 : i32 to index
      %swap3A_1035 = arith.index_cast %swap3A_1033 : i32 to index
      %swap3A_1036 = arith.constant 0 : index
      %swap3A_1037 = tpu.vector_load %arg11[%swap3A_1034, %swap3A_1035, %swap3A_1036] {strides = array<i32>} : memref<2x2x128xi32, #tpu.memory_space<vmem>>, vector<1x1x16xi32>,
      %swap3A_1038 = vector.shape_cast %swap3A_1037 : vector<1x1x16xi32> to vector<16xi32>
      %swap3A_1039 = vector.shape_cast %add3A_1031 : vector<16xi32> to vector<1x1x16xi32>
      tpu.vector_store %arg11[%swap3A_1034, %swap3A_1035, %swap3A_1036], %swap3A_1039 {strides = array<i32>} : memref<2x2x128xi32, #tpu.memory_space<vmem>>, vector<1x1x16xi32>,
      %get3A_1040 = arith.constant 1 : i32
      %get3A_1041 = arith.constant 1 : i32
      %get3A_1042 = arith.index_cast %get3A_1040 : i32 to index
      %get3A_1043 = arith.index_cast %get3A_1041 : i32 to index
      %get3A_1044 = arith.constant 16 : index
      %get3A_1045 = tpu.vector_load %arg9[%get3A_1042, %get3A_1043, %get3A_1044] {strides = array<i32>} : memref<2x2x128xi32, #tpu.memory_space<vmem>>, vector<1x1x16xi32>,
      %get3A_1046 = vector.shape_cast %get3A_1045 : vector<1x1x16xi32> to vector<16xi32>
      %get3A_1047 = arith.constant 1 : i32
      %get3A_1048 = arith.constant 1 : i32
      %get3A_1049 = arith.index_cast %get3A_1047 : i32 to index
      %get3A_1050 = arith.index_cast %get3A_1048 : i32 to index
      %get3A_1051 = arith.constant 16 : index
      %get3A_1052 = tpu.vector_load %arg10[%get3A_1049, %get3A_1050, %get3A_1051] {strides = array<i32>} : memref<2x2x128xi32, #tpu.memory_space<vmem>>, vector<1x1x16xi32>,
      %get3A_1053 = vector.shape_cast %get3A_1052 : vector<1x1x16xi32> to vector<16xi32>
      %mul3A_1054 = arith.constant 201 : i32
      %mul3A_1055 = vector.broadcast %mul3A_1054 : i32 to vector<16xi32>
      %mul3A_1056 = arith.muli %get3A_1046, %mul3A_1055 : vector<16xi32>
      %add3A_1057 = arith.addi %mul3A_1056, %get3A_1053 : vector<16xi32>
      %swap3A_1058 = arith.constant 1 : i32
      %swap3A_1059 = arith.constant 1 : i32
      %swap3A_1060 = arith.index_cast %swap3A_1058 : i32 to index
      %swap3A_1061 = arith.index_cast %swap3A_1059 : i32 to index
      %swap3A_1062 = arith.constant 16 : index
      %swap3A_1063 = tpu.vector_load %arg11[%swap3A_1060, %swap3A_1061, %swap3A_1062] {strides = array<i32>} : memref<2x2x128xi32, #tpu.memory_space<vmem>>, vector<1x1x16xi32>,
      %swap3A_1064 = vector.shape_cast %swap3A_1063 : vector<1x1x16xi32> to vector<16xi32>
      %swap3A_1065 = vector.shape_cast %add3A_1057 : vector<16xi32> to vector<1x1x16xi32>
      tpu.vector_store %arg11[%swap3A_1060, %swap3A_1061, %swap3A_1062], %swap3A_1065 {strides = array<i32>} : memref<2x2x128xi32, #tpu.memory_space<vmem>>, vector<1x1x16xi32>,
      %get3A_1066 = arith.constant 1 : i32
      %get3A_1067 = arith.constant 1 : i32
      %get3A_1068 = arith.index_cast %get3A_1066 : i32 to index
      %get3A_1069 = arith.index_cast %get3A_1067 : i32 to index
      %get3A_1070 = arith.constant 32 : index
      %get3A_1071 = tpu.vector_load %arg9[%get3A_1068, %get3A_1069, %get3A_1070] {strides = array<i32>} : memref<2x2x128xi32, #tpu.memory_space<vmem>>, vector<1x1x16xi32>,
      %get3A_1072 = vector.shape_cast %get3A_1071 : vector<1x1x16xi32> to vector<16xi32>
      %get3A_1073 = arith.constant 1 : i32
      %get3A_1074 = arith.constant 1 : i32
      %get3A_1075 = arith.index_cast %get3A_1073 : i32 to index
      %get3A_1076 = arith.index_cast %get3A_1074 : i32 to index
      %get3A_1077 = arith.constant 32 : index
      %get3A_1078 = tpu.vector_load %arg10[%get3A_1075, %get3A_1076, %get3A_1077] {strides = array<i32>} : memref<2x2x128xi32, #tpu.memory_space<vmem>>, vector<1x1x16xi32>,
      %get3A_1079 = vector.shape_cast %get3A_1078 : vector<1x1x16xi32> to vector<16xi32>
      %mul3A_1080 = arith.constant 201 : i32
      %mul3A_1081 = vector.broadcast %mul3A_1080 : i32 to vector<16xi32>
      %mul3A_1082 = arith.muli %get3A_1072, %mul3A_1081 : vector<16xi32>
      %add3A_1083 = arith.addi %mul3A_1082, %get3A_1079 : vector<16xi32>
      %swap3A_1084 = arith.constant 1 : i32
      %swap3A_1085 = arith.constant 1 : i32
      %swap3A_1086 = arith.index_cast %swap3A_1084 : i32 to index
      %swap3A_1087 = arith.index_cast %swap3A_1085 : i32 to index
      %swap3A_1088 = arith.constant 32 : index
      %swap3A_1089 = tpu.vector_load %arg11[%swap3A_1086, %swap3A_1087, %swap3A_1088] {strides = array<i32>} : memref<2x2x128xi32, #tpu.memory_space<vmem>>, vector<1x1x16xi32>,
      %swap3A_1090 = vector.shape_cast %swap3A_1089 : vector<1x1x16xi32> to vector<16xi32>
      %swap3A_1091 = vector.shape_cast %add3A_1083 : vector<16xi32> to vector<1x1x16xi32>
      tpu.vector_store %arg11[%swap3A_1086, %swap3A_1087, %swap3A_1088], %swap3A_1091 {strides = array<i32>} : memref<2x2x128xi32, #tpu.memory_space<vmem>>, vector<1x1x16xi32>,
      %get3A_1092 = arith.constant 1 : i32
      %get3A_1093 = arith.constant 1 : i32
      %get3A_1094 = arith.index_cast %get3A_1092 : i32 to index
      %get3A_1095 = arith.index_cast %get3A_1093 : i32 to index
      %get3A_1096 = arith.constant 48 : index
      %get3A_1097 = tpu.vector_load %arg9[%get3A_1094, %get3A_1095, %get3A_1096] {strides = array<i32>} : memref<2x2x128xi32, #tpu.memory_space<vmem>>, vector<1x1x16xi32>,
      %get3A_1098 = vector.shape_cast %get3A_1097 : vector<1x1x16xi32> to vector<16xi32>
      %get3A_1099 = arith.constant 1 : i32
      %get3A_1100 = arith.constant 1 : i32
      %get3A_1101 = arith.index_cast %get3A_1099 : i32 to index
      %get3A_1102 = arith.index_cast %get3A_1100 : i32 to index
      %get3A_1103 = arith.constant 48 : index
      %get3A_1104 = tpu.vector_load %arg10[%get3A_1101, %get3A_1102, %get3A_1103] {strides = array<i32>} : memref<2x2x128xi32, #tpu.memory_space<vmem>>, vector<1x1x16xi32>,
      %get3A_1105 = vector.shape_cast %get3A_1104 : vector<1x1x16xi32> to vector<16xi32>
      %mul3A_1106 = arith.constant 201 : i32
      %mul3A_1107 = vector.broadcast %mul3A_1106 : i32 to vector<16xi32>
      %mul3A_1108 = arith.muli %get3A_1098, %mul3A_1107 : vector<16xi32>
      %add3A_1109 = arith.addi %mul3A_1108, %get3A_1105 : vector<16xi32>
      %swap3A_1110 = arith.constant 1 : i32
      %swap3A_1111 = arith.constant 1 : i32
      %swap3A_1112 = arith.index_cast %swap3A_1110 : i32 to index
      %swap3A_1113 = arith.index_cast %swap3A_1111 : i32 to index
      %swap3A_1114 = arith.constant 48 : index
      %swap3A_1115 = tpu.vector_load %arg11[%swap3A_1112, %swap3A_1113, %swap3A_1114] {strides = array<i32>} : memref<2x2x128xi32, #tpu.memory_space<vmem>>, vector<1x1x16xi32>,
      %swap3A_1116 = vector.shape_cast %swap3A_1115 : vector<1x1x16xi32> to vector<16xi32>
      %swap3A_1117 = vector.shape_cast %add3A_1109 : vector<16xi32> to vector<1x1x16xi32>
      tpu.vector_store %arg11[%swap3A_1112, %swap3A_1113, %swap3A_1114], %swap3A_1117 {strides = array<i32>} : memref<2x2x128xi32, #tpu.memory_space<vmem>>, vector<1x1x16xi32>,
      %get3A_1118 = arith.constant 1 : i32
      %get3A_1119 = arith.constant 1 : i32
      %get3A_1120 = arith.index_cast %get3A_1118 : i32 to index
      %get3A_1121 = arith.index_cast %get3A_1119 : i32 to index
      %get3A_1122 = arith.constant 64 : index
      %get3A_1123 = tpu.vector_load %arg9[%get3A_1120, %get3A_1121, %get3A_1122] {strides = array<i32>} : memref<2x2x128xi32, #tpu.memory_space<vmem>>, vector<1x1x16xi32>,
      %get3A_1124 = vector.shape_cast %get3A_1123 : vector<1x1x16xi32> to vector<16xi32>
      %get3A_1125 = arith.constant 1 : i32
      %get3A_1126 = arith.constant 1 : i32
      %get3A_1127 = arith.index_cast %get3A_1125 : i32 to index
      %get3A_1128 = arith.index_cast %get3A_1126 : i32 to index
      %get3A_1129 = arith.constant 64 : index
      %get3A_1130 = tpu.vector_load %arg10[%get3A_1127, %get3A_1128, %get3A_1129] {strides = array<i32>} : memref<2x2x128xi32, #tpu.memory_space<vmem>>, vector<1x1x16xi32>,
      %get3A_1131 = vector.shape_cast %get3A_1130 : vector<1x1x16xi32> to vector<16xi32>
      %mul3A_1132 = arith.constant 201 : i32
      %mul3A_1133 = vector.broadcast %mul3A_1132 : i32 to vector<16xi32>
      %mul3A_1134 = arith.muli %get3A_1124, %mul3A_1133 : vector<16xi32>
      %add3A_1135 = arith.addi %mul3A_1134, %get3A_1131 : vector<16xi32>
      %swap3A_1136 = arith.constant 1 : i32
      %swap3A_1137 = arith.constant 1 : i32
      %swap3A_1138 = arith.index_cast %swap3A_1136 : i32 to index
      %swap3A_1139 = arith.index_cast %swap3A_1137 : i32 to index
      %swap3A_1140 = arith.constant 64 : index
      %swap3A_1141 = tpu.vector_load %arg11[%swap3A_1138, %swap3A_1139, %swap3A_1140] {strides = array<i32>} : memref<2x2x128xi32, #tpu.memory_space<vmem>>, vector<1x1x16xi32>,
      %swap3A_1142 = vector.shape_cast %swap3A_1141 : vector<1x1x16xi32> to vector<16xi32>
      %swap3A_1143 = vector.shape_cast %add3A_1135 : vector<16xi32> to vector<1x1x16xi32>
      tpu.vector_store %arg11[%swap3A_1138, %swap3A_1139, %swap3A_1140], %swap3A_1143 {strides = array<i32>} : memref<2x2x128xi32, #tpu.memory_space<vmem>>, vector<1x1x16xi32>,
      %get3A_1144 = arith.constant 1 : i32
      %get3A_1145 = arith.constant 1 : i32
      %get3A_1146 = arith.index_cast %get3A_1144 : i32 to index
      %get3A_1147 = arith.index_cast %get3A_1145 : i32 to index
      %get3A_1148 = arith.constant 80 : index
      %get3A_1149 = tpu.vector_load %arg9[%get3A_1146, %get3A_1147, %get3A_1148] {strides = array<i32>} : memref<2x2x128xi32, #tpu.memory_space<vmem>>, vector<1x1x16xi32>,
      %get3A_1150 = vector.shape_cast %get3A_1149 : vector<1x1x16xi32> to vector<16xi32>
      %get3A_1151 = arith.constant 1 : i32
      %get3A_1152 = arith.constant 1 : i32
      %get3A_1153 = arith.index_cast %get3A_1151 : i32 to index
      %get3A_1154 = arith.index_cast %get3A_1152 : i32 to index
      %get3A_1155 = arith.constant 80 : index
      %get3A_1156 = tpu.vector_load %arg10[%get3A_1153, %get3A_1154, %get3A_1155] {strides = array<i32>} : memref<2x2x128xi32, #tpu.memory_space<vmem>>, vector<1x1x16xi32>,
      %get3A_1157 = vector.shape_cast %get3A_1156 : vector<1x1x16xi32> to vector<16xi32>
      %mul3A_1158 = arith.constant 201 : i32
      %mul3A_1159 = vector.broadcast %mul3A_1158 : i32 to vector<16xi32>
      %mul3A_1160 = arith.muli %get3A_1150, %mul3A_1159 : vector<16xi32>
      %add3A_1161 = arith.addi %mul3A_1160, %get3A_1157 : vector<16xi32>
      %swap3A_1162 = arith.constant 1 : i32
      %swap3A_1163 = arith.constant 1 : i32
      %swap3A_1164 = arith.index_cast %swap3A_1162 : i32 to index
      %swap3A_1165 = arith.index_cast %swap3A_1163 : i32 to index
      %swap3A_1166 = arith.constant 80 : index
      %swap3A_1167 = tpu.vector_load %arg11[%swap3A_1164, %swap3A_1165, %swap3A_1166] {strides = array<i32>} : memref<2x2x128xi32, #tpu.memory_space<vmem>>, vector<1x1x16xi32>,
      %swap3A_1168 = vector.shape_cast %swap3A_1167 : vector<1x1x16xi32> to vector<16xi32>
      %swap3A_1169 = vector.shape_cast %add3A_1161 : vector<16xi32> to vector<1x1x16xi32>
      tpu.vector_store %arg11[%swap3A_1164, %swap3A_1165, %swap3A_1166], %swap3A_1169 {strides = array<i32>} : memref<2x2x128xi32, #tpu.memory_space<vmem>>, vector<1x1x16xi32>,
      %get3A_1170 = arith.constant 1 : i32
      %get3A_1171 = arith.constant 1 : i32
      %get3A_1172 = arith.index_cast %get3A_1170 : i32 to index
      %get3A_1173 = arith.index_cast %get3A_1171 : i32 to index
      %get3A_1174 = arith.constant 96 : index
      %get3A_1175 = tpu.vector_load %arg9[%get3A_1172, %get3A_1173, %get3A_1174] {strides = array<i32>} : memref<2x2x128xi32, #tpu.memory_space<vmem>>, vector<1x1x16xi32>,
      %get3A_1176 = vector.shape_cast %get3A_1175 : vector<1x1x16xi32> to vector<16xi32>
      %get3A_1177 = arith.constant 1 : i32
      %get3A_1178 = arith.constant 1 : i32
      %get3A_1179 = arith.index_cast %get3A_1177 : i32 to index
      %get3A_1180 = arith.index_cast %get3A_1178 : i32 to index
      %get3A_1181 = arith.constant 96 : index
      %get3A_1182 = tpu.vector_load %arg10[%get3A_1179, %get3A_1180, %get3A_1181] {strides = array<i32>} : memref<2x2x128xi32, #tpu.memory_space<vmem>>, vector<1x1x16xi32>,
      %get3A_1183 = vector.shape_cast %get3A_1182 : vector<1x1x16xi32> to vector<16xi32>
      %mul3A_1184 = arith.constant 201 : i32
      %mul3A_1185 = vector.broadcast %mul3A_1184 : i32 to vector<16xi32>
      %mul3A_1186 = arith.muli %get3A_1176, %mul3A_1185 : vector<16xi32>
      %add3A_1187 = arith.addi %mul3A_1186, %get3A_1183 : vector<16xi32>
      %swap3A_1188 = arith.constant 1 : i32
      %swap3A_1189 = arith.constant 1 : i32
      %swap3A_1190 = arith.index_cast %swap3A_1188 : i32 to index
      %swap3A_1191 = arith.index_cast %swap3A_1189 : i32 to index
      %swap3A_1192 = arith.constant 96 : index
      %swap3A_1193 = tpu.vector_load %arg11[%swap3A_1190, %swap3A_1191, %swap3A_1192] {strides = array<i32>} : memref<2x2x128xi32, #tpu.memory_space<vmem>>, vector<1x1x16xi32>,
      %swap3A_1194 = vector.shape_cast %swap3A_1193 : vector<1x1x16xi32> to vector<16xi32>
      %swap3A_1195 = vector.shape_cast %add3A_1187 : vector<16xi32> to vector<1x1x16xi32>
      tpu.vector_store %arg11[%swap3A_1190, %swap3A_1191, %swap3A_1192], %swap3A_1195 {strides = array<i32>} : memref<2x2x128xi32, #tpu.memory_space<vmem>>, vector<1x1x16xi32>,
      %get3A_1196 = arith.constant 1 : i32
      %get3A_1197 = arith.constant 1 : i32
      %get3A_1198 = arith.index_cast %get3A_1196 : i32 to index
      %get3A_1199 = arith.index_cast %get3A_1197 : i32 to index
      %get3A_1200 = arith.constant 112 : index
      %get3A_1201 = tpu.vector_load %arg9[%get3A_1198, %get3A_1199, %get3A_1200] {strides = array<i32>} : memref<2x2x128xi32, #tpu.memory_space<vmem>>, vector<1x1x16xi32>,
      %get3A_1202 = vector.shape_cast %get3A_1201 : vector<1x1x16xi32> to vector<16xi32>
      %get3A_1203 = arith.constant 1 : i32
      %get3A_1204 = arith.constant 1 : i32
      %get3A_1205 = arith.index_cast %get3A_1203 : i32 to index
      %get3A_1206 = arith.index_cast %get3A_1204 : i32 to index
      %get3A_1207 = arith.constant 112 : index
      %get3A_1208 = tpu.vector_load %arg10[%get3A_1205, %get3A_1206, %get3A_1207] {strides = array<i32>} : memref<2x2x128xi32, #tpu.memory_space<vmem>>, vector<1x1x16xi32>,
      %get3A_1209 = vector.shape_cast %get3A_1208 : vector<1x1x16xi32> to vector<16xi32>
      %mul3A_1210 = arith.constant 201 : i32
      %mul3A_1211 = vector.broadcast %mul3A_1210 : i32 to vector<16xi32>
      %mul3A_1212 = arith.muli %get3A_1202, %mul3A_1211 : vector<16xi32>
      %add3A_1213 = arith.addi %mul3A_1212, %get3A_1209 : vector<16xi32>
      %swap3A_1214 = arith.constant 1 : i32
      %swap3A_1215 = arith.constant 1 : i32
      %swap3A_1216 = arith.index_cast %swap3A_1214 : i32 to index
      %swap3A_1217 = arith.index_cast %swap3A_1215 : i32 to index
      %swap3A_1218 = arith.constant 112 : index
      %swap3A_1219 = tpu.vector_load %arg11[%swap3A_1216, %swap3A_1217, %swap3A_1218] {strides = array<i32>} : memref<2x2x128xi32, #tpu.memory_space<vmem>>, vector<1x1x16xi32>,
      %swap3A_1220 = vector.shape_cast %swap3A_1219 : vector<1x1x16xi32> to vector<16xi32>
      %swap3A_1221 = vector.shape_cast %add3A_1213 : vector<16xi32> to vector<1x1x16xi32>
      tpu.vector_store %arg11[%swap3A_1216, %swap3A_1217, %swap3A_1218], %swap3A_1221 {strides = array<i32>} : memref<2x2x128xi32, #tpu.memory_space<vmem>>, vector<1x1x16xi32>,
      %dma_start3A_1222 = arith.constant 1 : i32
      %dma_start3A_1223 = arith.constant 0 : i32
      %dma_start3A_1224 = arith.constant 1 : i32
      %dma_start3A_1225 = arith.constant 0 : i32
      %dma_start3A_1226 = arith.constant 0 : i32
      %dma_start3A_1227 = tpu.memref_slice %arg12[%dma_start3A_1224, %dma_start3A_1225, %dma_start3A_1226] : memref<2x256x64xf32, #tpu.memory_space<vmem>> -> memref<1x128x64xf32, #tpu.memory_space<vmem>>
      %dma_start3A_1228 = tpu.memref_squeeze %dma_start3A_1227 : memref<1x128x64xf32, #tpu.memory_space<vmem>> -> memref<128x64xf32, #tpu.memory_space<vmem>>
      %dma_start3A_1229 = arith.constant 0 : i32
      %dma_start3A_1230 = tpu.memref_slice %arg8[%dma_start3A_1222, %dma_start3A_1223, %dma_start3A_1229] : memref<2x2x128xi32, #tpu.memory_space<vmem>> -> memref<1x1x128xi32, #tpu.memory_space<vmem>>
      %dma_start3A_1231 = tpu.memref_squeeze %dma_start3A_1230 : memref<1x1x128xi32, #tpu.memory_space<vmem>> -> memref<128xi32, #tpu.memory_space<vmem>>
      %dma_start3A_1232 = arith.constant 0 : i32
      %dma_start3A_1233 = arith.constant 0 : i32
      %dma_start3A_1234 = tpu.memref_slice %arg5[%dma_start3A_1232, %dma_start3A_1233] : memref<1000002x64xf32, #tpu.memory_space<hbm>> -> memref<1000002x64xf32, #tpu.memory_space<hbm>>
      tpu.enqueue_indirect_dma source(%dma_start3A_1234 : memref<1000002x64xf32, #tpu.memory_space<hbm>>) target(%dma_start3A_1228 : memref<128x64xf32, #tpu.memory_space<vmem>>) offsets(%dma_start3A_1231 : memref<128xi32, #tpu.memory_space<vmem>>) semaphore(%arg17 : memref<!tpu.dma_semaphore, #tpu.memory_space<semaphore_mem>>)
      %dma_start3A_1235 = arith.constant 1 : i32
      %dma_start3A_1236 = arith.constant 0 : i32
      %dma_start3A_1237 = arith.constant 1 : i32
      %dma_start3A_1238 = arith.constant 0 : i32
      %dma_start3A_1239 = arith.constant 0 : i32
      %dma_start3A_1240 = tpu.memref_slice %arg13[%dma_start3A_1237, %dma_start3A_1238, %dma_start3A_1239] : memref<2x256x64xf32, #tpu.memory_space<vmem>> -> memref<1x128x64xf32, #tpu.memory_space<vmem>>
      %dma_start3A_1241 = tpu.memref_squeeze %dma_start3A_1240 : memref<1x128x64xf32, #tpu.memory_space<vmem>> -> memref<128x64xf32, #tpu.memory_space<vmem>>
      %dma_start3A_1242 = arith.constant 0 : i32
      %dma_start3A_1243 = tpu.memref_slice %arg11[%dma_start3A_1235, %dma_start3A_1236, %dma_start3A_1242] : memref<2x2x128xi32, #tpu.memory_space<vmem>> -> memref<1x1x128xi32, #tpu.memory_space<vmem>>
      %dma_start3A_1244 = tpu.memref_squeeze %dma_start3A_1243 : memref<1x1x128xi32, #tpu.memory_space<vmem>> -> memref<128xi32, #tpu.memory_space<vmem>>
      %dma_start3A_1245 = arith.constant 0 : i32
      %dma_start3A_1246 = arith.constant 0 : i32
      %dma_start3A_1247 = tpu.memref_slice %arg6[%dma_start3A_1245, %dma_start3A_1246] : memref<40401x64xf32, #tpu.memory_space<hbm>> -> memref<40401x64xf32, #tpu.memory_space<hbm>>
      tpu.enqueue_indirect_dma source(%dma_start3A_1247 : memref<40401x64xf32, #tpu.memory_space<hbm>>) target(%dma_start3A_1241 : memref<128x64xf32, #tpu.memory_space<vmem>>) offsets(%dma_start3A_1244 : memref<128xi32, #tpu.memory_space<vmem>>) semaphore(%arg17 : memref<!tpu.dma_semaphore, #tpu.memory_space<semaphore_mem>>)
      %dma_start3A_1248 = arith.constant 1 : i32
      %dma_start3A_1249 = arith.constant 1 : i32
      %dma_start3A_1250 = arith.constant 1 : i32
      %dma_start3A_1251 = arith.constant 128 : i32
      %dma_start3A_1252 = arith.constant 0 : i32
      %dma_start3A_1253 = tpu.memref_slice %arg12[%dma_start3A_1250, %dma_start3A_1251, %dma_start3A_1252] : memref<2x256x64xf32, #tpu.memory_space<vmem>> -> memref<1x128x64xf32, #tpu.memory_space<vmem>>
      %dma_start3A_1254 = tpu.memref_squeeze %dma_start3A_1253 : memref<1x128x64xf32, #tpu.memory_space<vmem>> -> memref<128x64xf32, #tpu.memory_space<vmem>>
      %dma_start3A_1255 = arith.constant 0 : i32
      %dma_start3A_1256 = tpu.memref_slice %arg8[%dma_start3A_1248, %dma_start3A_1249, %dma_start3A_1255] : memref<2x2x128xi32, #tpu.memory_space<vmem>> -> memref<1x1x128xi32, #tpu.memory_space<vmem>>
      %dma_start3A_1257 = tpu.memref_squeeze %dma_start3A_1256 : memref<1x1x128xi32, #tpu.memory_space<vmem>> -> memref<128xi32, #tpu.memory_space<vmem>>
      %dma_start3A_1258 = arith.constant 0 : i32
      %dma_start3A_1259 = arith.constant 0 : i32
      %dma_start3A_1260 = tpu.memref_slice %arg5[%dma_start3A_1258, %dma_start3A_1259] : memref<1000002x64xf32, #tpu.memory_space<hbm>> -> memref<1000002x64xf32, #tpu.memory_space<hbm>>
      tpu.enqueue_indirect_dma source(%dma_start3A_1260 : memref<1000002x64xf32, #tpu.memory_space<hbm>>) target(%dma_start3A_1254 : memref<128x64xf32, #tpu.memory_space<vmem>>) offsets(%dma_start3A_1257 : memref<128xi32, #tpu.memory_space<vmem>>) semaphore(%arg17 : memref<!tpu.dma_semaphore, #tpu.memory_space<semaphore_mem>>)
      %dma_start3A_1261 = arith.constant 1 : i32
      %dma_start3A_1262 = arith.constant 1 : i32
      %dma_start3A_1263 = arith.constant 1 : i32
      %dma_start3A_1264 = arith.constant 128 : i32
      %dma_start3A_1265 = arith.constant 0 : i32
      %dma_start3A_1266 = tpu.memref_slice %arg13[%dma_start3A_1263, %dma_start3A_1264, %dma_start3A_1265] : memref<2x256x64xf32, #tpu.memory_space<vmem>> -> memref<1x128x64xf32, #tpu.memory_space<vmem>>
      %dma_start3A_1267 = tpu.memref_squeeze %dma_start3A_1266 : memref<1x128x64xf32, #tpu.memory_space<vmem>> -> memref<128x64xf32, #tpu.memory_space<vmem>>
      %dma_start3A_1268 = arith.constant 0 : i32
      %dma_start3A_1269 = tpu.memref_slice %arg11[%dma_start3A_1261, %dma_start3A_1262, %dma_start3A_1268] : memref<2x2x128xi32, #tpu.memory_space<vmem>> -> memref<1x1x128xi32, #tpu.memory_space<vmem>>
      %dma_start3A_1270 = tpu.memref_squeeze %dma_start3A_1269 : memref<1x1x128xi32, #tpu.memory_space<vmem>> -> memref<128xi32, #tpu.memory_space<vmem>>
      %dma_start3A_1271 = arith.constant 0 : i32
      %dma_start3A_1272 = arith.constant 0 : i32
      %dma_start3A_1273 = tpu.memref_slice %arg6[%dma_start3A_1271, %dma_start3A_1272] : memref<40401x64xf32, #tpu.memory_space<hbm>> -> memref<40401x64xf32, #tpu.memory_space<hbm>>
      tpu.enqueue_indirect_dma source(%dma_start3A_1273 : memref<40401x64xf32, #tpu.memory_space<hbm>>) target(%dma_start3A_1267 : memref<128x64xf32, #tpu.memory_space<vmem>>) offsets(%dma_start3A_1270 : memref<128xi32, #tpu.memory_space<vmem>>) semaphore(%arg17 : memref<!tpu.dma_semaphore, #tpu.memory_space<semaphore_mem>>)
      %dma_wait3A_1274 = arith.constant 0 : i32
      %dma_wait3A_1275 = arith.constant 0 : i32
      %dma_wait3A_1276 = arith.constant 0 : i32
      %dma_wait3A_1277 = arith.constant 0 : i32
      %dma_wait3A_1278 = arith.constant 0 : i32
      %dma_wait3A_1279 = tpu.memref_slice %arg12[%dma_wait3A_1276, %dma_wait3A_1277, %dma_wait3A_1278] : memref<2x256x64xf32, #tpu.memory_space<vmem>> -> memref<1x128x64xf32, #tpu.memory_space<vmem>>
      %dma_wait3A_1280 = tpu.memref_squeeze %dma_wait3A_1279 : memref<1x128x64xf32, #tpu.memory_space<vmem>> -> memref<128x64xf32, #tpu.memory_space<vmem>>
      %dma_wait3A_1281 = arith.constant 0 : i32
      %dma_wait3A_1282 = tpu.memref_slice %arg8[%dma_wait3A_1274, %dma_wait3A_1275, %dma_wait3A_1281] : memref<2x2x128xi32, #tpu.memory_space<vmem>> -> memref<1x1x128xi32, #tpu.memory_space<vmem>>
      %dma_wait3A_1283 = tpu.memref_squeeze %dma_wait3A_1282 : memref<1x1x128xi32, #tpu.memory_space<vmem>> -> memref<128xi32, #tpu.memory_space<vmem>>
      %dma_wait3A_1284 = arith.constant 0 : i32
      %dma_wait3A_1285 = arith.constant 0 : i32
      %dma_wait3A_1286 = tpu.memref_slice %arg5[%dma_wait3A_1284, %dma_wait3A_1285] : memref<1000002x64xf32, #tpu.memory_space<hbm>> -> memref<1000002x64xf32, #tpu.memory_space<hbm>>
      tpu.wait_indirect_dma semaphore(%arg16 : memref<!tpu.dma_semaphore, #tpu.memory_space<semaphore_mem>>) src(%dma_wait3A_1286 : memref<1000002x64xf32, #tpu.memory_space<hbm>>) dst(%dma_wait3A_1280 : memref<128x64xf32, #tpu.memory_space<vmem>>)
      %dma_wait3A_1287 = arith.constant 0 : i32
      %dma_wait3A_1288 = arith.constant 0 : i32
      %dma_wait3A_1289 = arith.constant 0 : i32
      %dma_wait3A_1290 = arith.constant 0 : i32
      %dma_wait3A_1291 = arith.constant 0 : i32
      %dma_wait3A_1292 = tpu.memref_slice %arg13[%dma_wait3A_1289, %dma_wait3A_1290, %dma_wait3A_1291] : memref<2x256x64xf32, #tpu.memory_space<vmem>> -> memref<1x128x64xf32, #tpu.memory_space<vmem>>
      %dma_wait3A_1293 = tpu.memref_squeeze %dma_wait3A_1292 : memref<1x128x64xf32, #tpu.memory_space<vmem>> -> memref<128x64xf32, #tpu.memory_space<vmem>>
      %dma_wait3A_1294 = arith.constant 0 : i32
      %dma_wait3A_1295 = tpu.memref_slice %arg11[%dma_wait3A_1287, %dma_wait3A_1288, %dma_wait3A_1294] : memref<2x2x128xi32, #tpu.memory_space<vmem>> -> memref<1x1x128xi32, #tpu.memory_space<vmem>>
      %dma_wait3A_1296 = tpu.memref_squeeze %dma_wait3A_1295 : memref<1x1x128xi32, #tpu.memory_space<vmem>> -> memref<128xi32, #tpu.memory_space<vmem>>
      %dma_wait3A_1297 = arith.constant 0 : i32
      %dma_wait3A_1298 = arith.constant 0 : i32
      %dma_wait3A_1299 = tpu.memref_slice %arg6[%dma_wait3A_1297, %dma_wait3A_1298] : memref<40401x64xf32, #tpu.memory_space<hbm>> -> memref<40401x64xf32, #tpu.memory_space<hbm>>
      tpu.wait_indirect_dma semaphore(%arg16 : memref<!tpu.dma_semaphore, #tpu.memory_space<semaphore_mem>>) src(%dma_wait3A_1299 : memref<40401x64xf32, #tpu.memory_space<hbm>>) dst(%dma_wait3A_1293 : memref<128x64xf32, #tpu.memory_space<vmem>>)
      %dma_wait3A_1300 = arith.constant 0 : i32
      %dma_wait3A_1301 = arith.constant 1 : i32
      %dma_wait3A_1302 = arith.constant 0 : i32
      %dma_wait3A_1303 = arith.constant 128 : i32
      %dma_wait3A_1304 = arith.constant 0 : i32
      %dma_wait3A_1305 = tpu.memref_slice %arg12[%dma_wait3A_1302, %dma_wait3A_1303, %dma_wait3A_1304] : memref<2x256x64xf32, #tpu.memory_space<vmem>> -> memref<1x128x64xf32, #tpu.memory_space<vmem>>
      %dma_wait3A_1306 = tpu.memref_squeeze %dma_wait3A_1305 : memref<1x128x64xf32, #tpu.memory_space<vmem>> -> memref<128x64xf32, #tpu.memory_space<vmem>>
      %dma_wait3A_1307 = arith.constant 0 : i32
      %dma_wait3A_1308 = tpu.memref_slice %arg8[%dma_wait3A_1300, %dma_wait3A_1301, %dma_wait3A_1307] : memref<2x2x128xi32, #tpu.memory_space<vmem>> -> memref<1x1x128xi32, #tpu.memory_space<vmem>>
      %dma_wait3A_1309 = tpu.memref_squeeze %dma_wait3A_1308 : memref<1x1x128xi32, #tpu.memory_space<vmem>> -> memref<128xi32, #tpu.memory_space<vmem>>
      %dma_wait3A_1310 = arith.constant 0 : i32
      %dma_wait3A_1311 = arith.constant 0 : i32
      %dma_wait3A_1312 = tpu.memref_slice %arg5[%dma_wait3A_1310, %dma_wait3A_1311] : memref<1000002x64xf32, #tpu.memory_space<hbm>> -> memref<1000002x64xf32, #tpu.memory_space<hbm>>
      tpu.wait_indirect_dma semaphore(%arg16 : memref<!tpu.dma_semaphore, #tpu.memory_space<semaphore_mem>>) src(%dma_wait3A_1312 : memref<1000002x64xf32, #tpu.memory_space<hbm>>) dst(%dma_wait3A_1306 : memref<128x64xf32, #tpu.memory_space<vmem>>)
      %dma_wait3A_1313 = arith.constant 0 : i32
      %dma_wait3A_1314 = arith.constant 1 : i32
      %dma_wait3A_1315 = arith.constant 0 : i32
      %dma_wait3A_1316 = arith.constant 128 : i32
      %dma_wait3A_1317 = arith.constant 0 : i32
      %dma_wait3A_1318 = tpu.memref_slice %arg13[%dma_wait3A_1315, %dma_wait3A_1316, %dma_wait3A_1317] : memref<2x256x64xf32, #tpu.memory_space<vmem>> -> memref<1x128x64xf32, #tpu.memory_space<vmem>>
      %dma_wait3A_1319 = tpu.memref_squeeze %dma_wait3A_1318 : memref<1x128x64xf32, #tpu.memory_space<vmem>> -> memref<128x64xf32, #tpu.memory_space<vmem>>
      %dma_wait3A_1320 = arith.constant 0 : i32
      %dma_wait3A_1321 = tpu.memref_slice %arg11[%dma_wait3A_1313, %dma_wait3A_1314, %dma_wait3A_1320] : memref<2x2x128xi32, #tpu.memory_space<vmem>> -> memref<1x1x128xi32, #tpu.memory_space<vmem>>
      %dma_wait3A_1322 = tpu.memref_squeeze %dma_wait3A_1321 : memref<1x1x128xi32, #tpu.memory_space<vmem>> -> memref<128xi32, #tpu.memory_space<vmem>>
      %dma_wait3A_1323 = arith.constant 0 : i32
      %dma_wait3A_1324 = arith.constant 0 : i32
      %dma_wait3A_1325 = tpu.memref_slice %arg6[%dma_wait3A_1323, %dma_wait3A_1324] : memref<40401x64xf32, #tpu.memory_space<hbm>> -> memref<40401x64xf32, #tpu.memory_space<hbm>>
      tpu.wait_indirect_dma semaphore(%arg16 : memref<!tpu.dma_semaphore, #tpu.memory_space<semaphore_mem>>) src(%dma_wait3A_1325 : memref<40401x64xf32, #tpu.memory_space<hbm>>) dst(%dma_wait3A_1319 : memref<128x64xf32, #tpu.memory_space<vmem>>)
      %mul3A_1326 = arith.constant 2 : i32
      %mul3A_1327 = arith.muli %mul3A_1326, %scan3A_189 : i32
      %mul3A_1328 = arith.constant 2 : i32
      %mul3A_1329 = arith.muli %mul3A_1327, %mul3A_1328 : i32
      %add3A_1330 = arith.addi %mul3A_2, %mul3A_1329 : i32
      %mul3A_1331 = arith.constant 128 : i32
      %mul3A_1332 = arith.muli %add3A_1330, %mul3A_1331 : i32
      %dma_start3A_1333 = arith.constant 0 : i32
      %dma_start3A_1334 = arith.constant 0 : i32
      %dma_start3A_1335 = arith.constant 0 : i32
      %dma_start3A_1336 = tpu.memref_slice %arg12[%dma_start3A_1333, %dma_start3A_1334, %dma_start3A_1335] : memref<2x256x64xf32, #tpu.memory_space<vmem>> -> memref<1x256x64xf32, #tpu.memory_space<vmem>>
      %dma_start3A_1337 = tpu.memref_squeeze %dma_start3A_1336 : memref<1x256x64xf32, #tpu.memory_space<vmem>> -> memref<256x64xf32, #tpu.memory_space<vmem>>
      %dma_start3A_1338 = arith.constant 0 : i32
      %dma_start3A_1339 = tpu.memref_slice %arg7[%mul3A_1332, %dma_start3A_1338] : memref<819200x128xf32, #tpu.memory_space<hbm>> -> memref<256x64xf32, #tpu.memory_space<hbm>>
      %dma_start3A_1340 = arith.constant 0 : i32
      %dma_start3A_1341 = tpu.memref_slice %arg7[%mul3A_1332, %dma_start3A_1340] : memref<819200x128xf32, #tpu.memory_space<hbm>> -> memref<256x64xf32, #tpu.memory_space<hbm>>
      %dma_start3A_1342 = arith.constant 0 : i32
      %dma_start3A_1343 = arith.constant 0 : i32
      %dma_start3A_1344 = tpu.memref_slice %arg12[%dma_start3A_1333, %dma_start3A_1342, %dma_start3A_1343] : memref<2x256x64xf32, #tpu.memory_space<vmem>> -> memref<1x256x64xf32, #tpu.memory_space<vmem>>
      %dma_start3A_1345 = tpu.memref_squeeze %dma_start3A_1344 : memref<1x256x64xf32, #tpu.memory_space<vmem>> -> memref<256x64xf32, #tpu.memory_space<vmem>>
      tpu.enqueue_dma source(%dma_start3A_1345 : memref<256x64xf32, #tpu.memory_space<vmem>>) target(%dma_start3A_1341 : memref<256x64xf32, #tpu.memory_space<hbm>>) target_semaphore(%arg18 : memref<!tpu.dma_semaphore, #tpu.memory_space<semaphore_mem>>)
      %dma_start3A_1346 = arith.constant 0 : i32
      %dma_start3A_1347 = arith.constant 0 : i32
      %dma_start3A_1348 = arith.constant 0 : i32
      %dma_start3A_1349 = tpu.memref_slice %arg13[%dma_start3A_1346, %dma_start3A_1347, %dma_start3A_1348] : memref<2x256x64xf32, #tpu.memory_space<vmem>> -> memref<1x256x64xf32, #tpu.memory_space<vmem>>
      %dma_start3A_1350 = tpu.memref_squeeze %dma_start3A_1349 : memref<1x256x64xf32, #tpu.memory_space<vmem>> -> memref<256x64xf32, #tpu.memory_space<vmem>>
      %dma_start3A_1351 = arith.constant 64 : i32
      %dma_start3A_1352 = tpu.memref_slice %arg7[%mul3A_1332, %dma_start3A_1351] : memref<819200x128xf32, #tpu.memory_space<hbm>> -> memref<256x64xf32, #tpu.memory_space<hbm>>
      %dma_start3A_1353 = arith.constant 64 : i32
      %dma_start3A_1354 = tpu.memref_slice %arg7[%mul3A_1332, %dma_start3A_1353] : memref<819200x128xf32, #tpu.memory_space<hbm>> -> memref<256x64xf32, #tpu.memory_space<hbm>>
      %dma_start3A_1355 = arith.constant 0 : i32
      %dma_start3A_1356 = arith.constant 0 : i32
      %dma_start3A_1357 = tpu.memref_slice %arg13[%dma_start3A_1346, %dma_start3A_1355, %dma_start3A_1356] : memref<2x256x64xf32, #tpu.memory_space<vmem>> -> memref<1x256x64xf32, #tpu.memory_space<vmem>>
      %dma_start3A_1358 = tpu.memref_squeeze %dma_start3A_1357 : memref<1x256x64xf32, #tpu.memory_space<vmem>> -> memref<256x64xf32, #tpu.memory_space<vmem>>
      tpu.enqueue_dma source(%dma_start3A_1358 : memref<256x64xf32, #tpu.memory_space<vmem>>) target(%dma_start3A_1354 : memref<256x64xf32, #tpu.memory_space<hbm>>) target_semaphore(%arg18 : memref<!tpu.dma_semaphore, #tpu.memory_space<semaphore_mem>>)
      %lt3A = arith.constant 49 : i32
      %lt3A_1359 = arith.cmpi slt, %scan3A_189, %lt3A : i32
      %convert_element_type3A_1360 = arith.extui %lt3A_1359 : i1 to i32
      %cond3A_1361 = arith.constant 0 : i32
      %cond3A_1362 = arith.cmpi ne, %convert_element_type3A_1360, %cond3A_1361 : i32
      scf.if %cond3A_1362 {
        %mul3A_1363 = arith.constant 2 : i32
        %mul3A_1364 = arith.muli %mul3A_1363, %scan3A_189 : i32
        %add3A_1365 = arith.constant 2 : i32
        %add3A_1366 = arith.addi %mul3A_1364, %add3A_1365 : i32
        %mul3A_1367 = arith.constant 2 : i32
        %mul3A_1368 = arith.muli %add3A_1366, %mul3A_1367 : i32
        %add3A_1369 = arith.addi %mul3A_2, %mul3A_1368 : i32
        %dma_start3A_1370 = arith.constant 0 : i32
        %dma_start3A_1371 = arith.constant 0 : i32
        %dma_start3A_1372 = arith.constant 0 : i32
        %dma_start3A_1373 = tpu.memref_slice %arg8[%dma_start3A_1370, %dma_start3A_1371, %dma_start3A_1372] : memref<2x2x128xi32, #tpu.memory_space<vmem>> -> memref<1x2x128xi32, #tpu.memory_space<vmem>>
        %dma_start3A_1374 = tpu.memref_squeeze %dma_start3A_1373 : memref<1x2x128xi32, #tpu.memory_space<vmem>> -> memref<2x128xi32, #tpu.memory_space<vmem>>
        %dma_start3A_1375 = arith.constant 0 : i32
        %dma_start3A_1376 = tpu.memref_slice %arg2[%add3A_1369, %dma_start3A_1375] : memref<6400x128xi32, #tpu.memory_space<hbm>> -> memref<2x128xi32, #tpu.memory_space<hbm>>
        %dma_start3A_1377 = arith.constant 0 : i32
        %dma_start3A_1378 = arith.constant 0 : i32
        %dma_start3A_1379 = tpu.memref_slice %arg8[%dma_start3A_1370, %dma_start3A_1377, %dma_start3A_1378] : memref<2x2x128xi32, #tpu.memory_space<vmem>> -> memref<1x2x128xi32, #tpu.memory_space<vmem>>
        %dma_start3A_1380 = tpu.memref_squeeze %dma_start3A_1379 : memref<1x2x128xi32, #tpu.memory_space<vmem>> -> memref<2x128xi32, #tpu.memory_space<vmem>>
        %dma_start3A_1381 = arith.constant 0 : i32
        %dma_start3A_1382 = tpu.memref_slice %arg2[%add3A_1369, %dma_start3A_1381] : memref<6400x128xi32, #tpu.memory_space<hbm>> -> memref<2x128xi32, #tpu.memory_space<hbm>>
        tpu.enqueue_dma source(%dma_start3A_1382 : memref<2x128xi32, #tpu.memory_space<hbm>>) target(%dma_start3A_1380 : memref<2x128xi32, #tpu.memory_space<vmem>>) target_semaphore(%arg14 : memref<!tpu.dma_semaphore, #tpu.memory_space<semaphore_mem>>)
        %dma_start3A_1383 = arith.constant 0 : i32
        %dma_start3A_1384 = arith.constant 0 : i32
        %dma_start3A_1385 = arith.constant 0 : i32
        %dma_start3A_1386 = tpu.memref_slice %arg9[%dma_start3A_1383, %dma_start3A_1384, %dma_start3A_1385] : memref<2x2x128xi32, #tpu.memory_space<vmem>> -> memref<1x2x128xi32, #tpu.memory_space<vmem>>
        %dma_start3A_1387 = tpu.memref_squeeze %dma_start3A_1386 : memref<1x2x128xi32, #tpu.memory_space<vmem>> -> memref<2x128xi32, #tpu.memory_space<vmem>>
        %dma_start3A_1388 = arith.constant 0 : i32
        %dma_start3A_1389 = tpu.memref_slice %arg3[%add3A_1369, %dma_start3A_1388] : memref<6400x128xi32, #tpu.memory_space<hbm>> -> memref<2x128xi32, #tpu.memory_space<hbm>>
        %dma_start3A_1390 = arith.constant 0 : i32
        %dma_start3A_1391 = arith.constant 0 : i32
        %dma_start3A_1392 = tpu.memref_slice %arg9[%dma_start3A_1383, %dma_start3A_1390, %dma_start3A_1391] : memref<2x2x128xi32, #tpu.memory_space<vmem>> -> memref<1x2x128xi32, #tpu.memory_space<vmem>>
        %dma_start3A_1393 = tpu.memref_squeeze %dma_start3A_1392 : memref<1x2x128xi32, #tpu.memory_space<vmem>> -> memref<2x128xi32, #tpu.memory_space<vmem>>
        %dma_start3A_1394 = arith.constant 0 : i32
        %dma_start3A_1395 = tpu.memref_slice %arg3[%add3A_1369, %dma_start3A_1394] : memref<6400x128xi32, #tpu.memory_space<hbm>> -> memref<2x128xi32, #tpu.memory_space<hbm>>
        tpu.enqueue_dma source(%dma_start3A_1395 : memref<2x128xi32, #tpu.memory_space<hbm>>) target(%dma_start3A_1393 : memref<2x128xi32, #tpu.memory_space<vmem>>) target_semaphore(%arg14 : memref<!tpu.dma_semaphore, #tpu.memory_space<semaphore_mem>>)
        %dma_start3A_1396 = arith.constant 0 : i32
        %dma_start3A_1397 = arith.constant 0 : i32
        %dma_start3A_1398 = arith.constant 0 : i32
        %dma_start3A_1399 = tpu.memref_slice %arg10[%dma_start3A_1396, %dma_start3A_1397, %dma_start3A_1398] : memref<2x2x128xi32, #tpu.memory_space<vmem>> -> memref<1x2x128xi32, #tpu.memory_space<vmem>>
        %dma_start3A_1400 = tpu.memref_squeeze %dma_start3A_1399 : memref<1x2x128xi32, #tpu.memory_space<vmem>> -> memref<2x128xi32, #tpu.memory_space<vmem>>
        %dma_start3A_1401 = arith.constant 0 : i32
        %dma_start3A_1402 = tpu.memref_slice %arg4[%add3A_1369, %dma_start3A_1401] : memref<6400x128xi32, #tpu.memory_space<hbm>> -> memref<2x128xi32, #tpu.memory_space<hbm>>
        %dma_start3A_1403 = arith.constant 0 : i32
        %dma_start3A_1404 = arith.constant 0 : i32
        %dma_start3A_1405 = tpu.memref_slice %arg10[%dma_start3A_1396, %dma_start3A_1403, %dma_start3A_1404] : memref<2x2x128xi32, #tpu.memory_space<vmem>> -> memref<1x2x128xi32, #tpu.memory_space<vmem>>
        %dma_start3A_1406 = tpu.memref_squeeze %dma_start3A_1405 : memref<1x2x128xi32, #tpu.memory_space<vmem>> -> memref<2x128xi32, #tpu.memory_space<vmem>>
        %dma_start3A_1407 = arith.constant 0 : i32
        %dma_start3A_1408 = tpu.memref_slice %arg4[%add3A_1369, %dma_start3A_1407] : memref<6400x128xi32, #tpu.memory_space<hbm>> -> memref<2x128xi32, #tpu.memory_space<hbm>>
        tpu.enqueue_dma source(%dma_start3A_1408 : memref<2x128xi32, #tpu.memory_space<hbm>>) target(%dma_start3A_1406 : memref<2x128xi32, #tpu.memory_space<vmem>>) target_semaphore(%arg14 : memref<!tpu.dma_semaphore, #tpu.memory_space<semaphore_mem>>)
      } else {
      }
    }
    %scan3A_47 = arith.constant 50 : i32
    %dma_wait3A = arith.constant 1 : i32
    %dma_wait3A_48 = arith.constant 0 : i32
    %dma_wait3A_49 = arith.constant 1 : i32
    %dma_wait3A_50 = arith.constant 0 : i32
    %dma_wait3A_51 = arith.constant 0 : i32
    %dma_wait3A_52 = tpu.memref_slice %arg12[%dma_wait3A_49, %dma_wait3A_50, %dma_wait3A_51] : memref<2x256x64xf32, #tpu.memory_space<vmem>> -> memref<1x128x64xf32, #tpu.memory_space<vmem>>
    %dma_wait3A_53 = tpu.memref_squeeze %dma_wait3A_52 : memref<1x128x64xf32, #tpu.memory_space<vmem>> -> memref<128x64xf32, #tpu.memory_space<vmem>>
    %dma_wait3A_54 = arith.constant 0 : i32
    %dma_wait3A_55 = tpu.memref_slice %arg8[%dma_wait3A, %dma_wait3A_48, %dma_wait3A_54] : memref<2x2x128xi32, #tpu.memory_space<vmem>> -> memref<1x1x128xi32, #tpu.memory_space<vmem>>
    %dma_wait3A_56 = tpu.memref_squeeze %dma_wait3A_55 : memref<1x1x128xi32, #tpu.memory_space<vmem>> -> memref<128xi32, #tpu.memory_space<vmem>>
    %dma_wait3A_57 = arith.constant 0 : i32
    %dma_wait3A_58 = arith.constant 0 : i32
    %dma_wait3A_59 = tpu.memref_slice %arg5[%dma_wait3A_57, %dma_wait3A_58] : memref<1000002x64xf32, #tpu.memory_space<hbm>> -> memref<1000002x64xf32, #tpu.memory_space<hbm>>
    tpu.wait_indirect_dma semaphore(%arg17 : memref<!tpu.dma_semaphore, #tpu.memory_space<semaphore_mem>>) src(%dma_wait3A_59 : memref<1000002x64xf32, #tpu.memory_space<hbm>>) dst(%dma_wait3A_53 : memref<128x64xf32, #tpu.memory_space<vmem>>)
    %dma_wait3A_60 = arith.constant 1 : i32
    %dma_wait3A_61 = arith.constant 0 : i32
    %dma_wait3A_62 = arith.constant 1 : i32
    %dma_wait3A_63 = arith.constant 0 : i32
    %dma_wait3A_64 = arith.constant 0 : i32
    %dma_wait3A_65 = tpu.memref_slice %arg13[%dma_wait3A_62, %dma_wait3A_63, %dma_wait3A_64] : memref<2x256x64xf32, #tpu.memory_space<vmem>> -> memref<1x128x64xf32, #tpu.memory_space<vmem>>
    %dma_wait3A_66 = tpu.memref_squeeze %dma_wait3A_65 : memref<1x128x64xf32, #tpu.memory_space<vmem>> -> memref<128x64xf32, #tpu.memory_space<vmem>>
    %dma_wait3A_67 = arith.constant 0 : i32
    %dma_wait3A_68 = tpu.memref_slice %arg11[%dma_wait3A_60, %dma_wait3A_61, %dma_wait3A_67] : memref<2x2x128xi32, #tpu.memory_space<vmem>> -> memref<1x1x128xi32, #tpu.memory_space<vmem>>
    %dma_wait3A_69 = tpu.memref_squeeze %dma_wait3A_68 : memref<1x1x128xi32, #tpu.memory_space<vmem>> -> memref<128xi32, #tpu.memory_space<vmem>>
    %dma_wait3A_70 = arith.constant 0 : i32
    %dma_wait3A_71 = arith.constant 0 : i32
    %dma_wait3A_72 = tpu.memref_slice %arg6[%dma_wait3A_70, %dma_wait3A_71] : memref<40401x64xf32, #tpu.memory_space<hbm>> -> memref<40401x64xf32, #tpu.memory_space<hbm>>
    tpu.wait_indirect_dma semaphore(%arg17 : memref<!tpu.dma_semaphore, #tpu.memory_space<semaphore_mem>>) src(%dma_wait3A_72 : memref<40401x64xf32, #tpu.memory_space<hbm>>) dst(%dma_wait3A_66 : memref<128x64xf32, #tpu.memory_space<vmem>>)
    %dma_wait3A_73 = arith.constant 1 : i32
    %dma_wait3A_74 = arith.constant 1 : i32
    %dma_wait3A_75 = arith.constant 1 : i32
    %dma_wait3A_76 = arith.constant 128 : i32
    %dma_wait3A_77 = arith.constant 0 : i32
    %dma_wait3A_78 = tpu.memref_slice %arg12[%dma_wait3A_75, %dma_wait3A_76, %dma_wait3A_77] : memref<2x256x64xf32, #tpu.memory_space<vmem>> -> memref<1x128x64xf32, #tpu.memory_space<vmem>>
    %dma_wait3A_79 = tpu.memref_squeeze %dma_wait3A_78 : memref<1x128x64xf32, #tpu.memory_space<vmem>> -> memref<128x64xf32, #tpu.memory_space<vmem>>
    %dma_wait3A_80 = arith.constant 0 : i32
    %dma_wait3A_81 = tpu.memref_slice %arg8[%dma_wait3A_73, %dma_wait3A_74, %dma_wait3A_80] : memref<2x2x128xi32, #tpu.memory_space<vmem>> -> memref<1x1x128xi32, #tpu.memory_space<vmem>>
    %dma_wait3A_82 = tpu.memref_squeeze %dma_wait3A_81 : memref<1x1x128xi32, #tpu.memory_space<vmem>> -> memref<128xi32, #tpu.memory_space<vmem>>
    %dma_wait3A_83 = arith.constant 0 : i32
    %dma_wait3A_84 = arith.constant 0 : i32
    %dma_wait3A_85 = tpu.memref_slice %arg5[%dma_wait3A_83, %dma_wait3A_84] : memref<1000002x64xf32, #tpu.memory_space<hbm>> -> memref<1000002x64xf32, #tpu.memory_space<hbm>>
    tpu.wait_indirect_dma semaphore(%arg17 : memref<!tpu.dma_semaphore, #tpu.memory_space<semaphore_mem>>) src(%dma_wait3A_85 : memref<1000002x64xf32, #tpu.memory_space<hbm>>) dst(%dma_wait3A_79 : memref<128x64xf32, #tpu.memory_space<vmem>>)
    %dma_wait3A_86 = arith.constant 1 : i32
    %dma_wait3A_87 = arith.constant 1 : i32
    %dma_wait3A_88 = arith.constant 1 : i32
    %dma_wait3A_89 = arith.constant 128 : i32
    %dma_wait3A_90 = arith.constant 0 : i32
    %dma_wait3A_91 = tpu.memref_slice %arg13[%dma_wait3A_88, %dma_wait3A_89, %dma_wait3A_90] : memref<2x256x64xf32, #tpu.memory_space<vmem>> -> memref<1x128x64xf32, #tpu.memory_space<vmem>>
    %dma_wait3A_92 = tpu.memref_squeeze %dma_wait3A_91 : memref<1x128x64xf32, #tpu.memory_space<vmem>> -> memref<128x64xf32, #tpu.memory_space<vmem>>
    %dma_wait3A_93 = arith.constant 0 : i32
    %dma_wait3A_94 = tpu.memref_slice %arg11[%dma_wait3A_86, %dma_wait3A_87, %dma_wait3A_93] : memref<2x2x128xi32, #tpu.memory_space<vmem>> -> memref<1x1x128xi32, #tpu.memory_space<vmem>>
    %dma_wait3A_95 = tpu.memref_squeeze %dma_wait3A_94 : memref<1x1x128xi32, #tpu.memory_space<vmem>> -> memref<128xi32, #tpu.memory_space<vmem>>
    %dma_wait3A_96 = arith.constant 0 : i32
    %dma_wait3A_97 = arith.constant 0 : i32
    %dma_wait3A_98 = tpu.memref_slice %arg6[%dma_wait3A_96, %dma_wait3A_97] : memref<40401x64xf32, #tpu.memory_space<hbm>> -> memref<40401x64xf32, #tpu.memory_space<hbm>>
    tpu.wait_indirect_dma semaphore(%arg17 : memref<!tpu.dma_semaphore, #tpu.memory_space<semaphore_mem>>) src(%dma_wait3A_98 : memref<40401x64xf32, #tpu.memory_space<hbm>>) dst(%dma_wait3A_92 : memref<128x64xf32, #tpu.memory_space<vmem>>)
    %add3A_99 = arith.constant 198 : i32
    %add3A_100 = arith.addi %mul3A_2, %add3A_99 : i32
    %mul3A_101 = arith.constant 128 : i32
    %mul3A_102 = arith.muli %add3A_100, %mul3A_101 : i32
    %dma_start3A_103 = arith.constant 1 : i32
    %dma_start3A_104 = arith.constant 0 : i32
    %dma_start3A_105 = arith.constant 0 : i32
    %dma_start3A_106 = tpu.memref_slice %arg12[%dma_start3A_103, %dma_start3A_104, %dma_start3A_105] : memref<2x256x64xf32, #tpu.memory_space<vmem>> -> memref<1x256x64xf32, #tpu.memory_space<vmem>>
    %dma_start3A_107 = tpu.memref_squeeze %dma_start3A_106 : memref<1x256x64xf32, #tpu.memory_space<vmem>> -> memref<256x64xf32, #tpu.memory_space<vmem>>
    %dma_start3A_108 = arith.constant 0 : i32
    %dma_start3A_109 = tpu.memref_slice %arg7[%mul3A_102, %dma_start3A_108] : memref<819200x128xf32, #tpu.memory_space<hbm>> -> memref<256x64xf32, #tpu.memory_space<hbm>>
    %dma_start3A_110 = arith.constant 0 : i32
    %dma_start3A_111 = tpu.memref_slice %arg7[%mul3A_102, %dma_start3A_110] : memref<819200x128xf32, #tpu.memory_space<hbm>> -> memref<256x64xf32, #tpu.memory_space<hbm>>
    %dma_start3A_112 = arith.constant 0 : i32
    %dma_start3A_113 = arith.constant 0 : i32
    %dma_start3A_114 = tpu.memref_slice %arg12[%dma_start3A_103, %dma_start3A_112, %dma_start3A_113] : memref<2x256x64xf32, #tpu.memory_space<vmem>> -> memref<1x256x64xf32, #tpu.memory_space<vmem>>
    %dma_start3A_115 = tpu.memref_squeeze %dma_start3A_114 : memref<1x256x64xf32, #tpu.memory_space<vmem>> -> memref<256x64xf32, #tpu.memory_space<vmem>>
    tpu.enqueue_dma source(%dma_start3A_115 : memref<256x64xf32, #tpu.memory_space<vmem>>) target(%dma_start3A_111 : memref<256x64xf32, #tpu.memory_space<hbm>>) target_semaphore(%arg19 : memref<!tpu.dma_semaphore, #tpu.memory_space<semaphore_mem>>)
    %dma_start3A_116 = arith.constant 1 : i32
    %dma_start3A_117 = arith.constant 0 : i32
    %dma_start3A_118 = arith.constant 0 : i32
    %dma_start3A_119 = tpu.memref_slice %arg13[%dma_start3A_116, %dma_start3A_117, %dma_start3A_118] : memref<2x256x64xf32, #tpu.memory_space<vmem>> -> memref<1x256x64xf32, #tpu.memory_space<vmem>>
    %dma_start3A_120 = tpu.memref_squeeze %dma_start3A_119 : memref<1x256x64xf32, #tpu.memory_space<vmem>> -> memref<256x64xf32, #tpu.memory_space<vmem>>
    %dma_start3A_121 = arith.constant 64 : i32
    %dma_start3A_122 = tpu.memref_slice %arg7[%mul3A_102, %dma_start3A_121] : memref<819200x128xf32, #tpu.memory_space<hbm>> -> memref<256x64xf32, #tpu.memory_space<hbm>>
    %dma_start3A_123 = arith.constant 64 : i32
    %dma_start3A_124 = tpu.memref_slice %arg7[%mul3A_102, %dma_start3A_123] : memref<819200x128xf32, #tpu.memory_space<hbm>> -> memref<256x64xf32, #tpu.memory_space<hbm>>
    %dma_start3A_125 = arith.constant 0 : i32
    %dma_start3A_126 = arith.constant 0 : i32
    %dma_start3A_127 = tpu.memref_slice %arg13[%dma_start3A_116, %dma_start3A_125, %dma_start3A_126] : memref<2x256x64xf32, #tpu.memory_space<vmem>> -> memref<1x256x64xf32, #tpu.memory_space<vmem>>
    %dma_start3A_128 = tpu.memref_squeeze %dma_start3A_127 : memref<1x256x64xf32, #tpu.memory_space<vmem>> -> memref<256x64xf32, #tpu.memory_space<vmem>>
    tpu.enqueue_dma source(%dma_start3A_128 : memref<256x64xf32, #tpu.memory_space<vmem>>) target(%dma_start3A_124 : memref<256x64xf32, #tpu.memory_space<hbm>>) target_semaphore(%arg19 : memref<!tpu.dma_semaphore, #tpu.memory_space<semaphore_mem>>)
    %add3A_129 = arith.constant 196 : i32
    %add3A_130 = arith.addi %mul3A_2, %add3A_129 : i32
    %mul3A_131 = arith.constant 128 : i32
    %mul3A_132 = arith.muli %add3A_130, %mul3A_131 : i32
    %dma_wait3A_133 = arith.constant 0 : i32
    %dma_wait3A_134 = arith.constant 0 : i32
    %dma_wait3A_135 = arith.constant 0 : i32
    %dma_wait3A_136 = tpu.memref_slice %arg12[%dma_wait3A_133, %dma_wait3A_134, %dma_wait3A_135] : memref<2x256x64xf32, #tpu.memory_space<vmem>> -> memref<1x256x64xf32, #tpu.memory_space<vmem>>
    %dma_wait3A_137 = tpu.memref_squeeze %dma_wait3A_136 : memref<1x256x64xf32, #tpu.memory_space<vmem>> -> memref<256x64xf32, #tpu.memory_space<vmem>>
    %dma_wait3A_138 = arith.constant 0 : i32
    %dma_wait3A_139 = tpu.memref_slice %arg7[%mul3A_132, %dma_wait3A_138] : memref<819200x128xf32, #tpu.memory_space<hbm>> -> memref<256x64xf32, #tpu.memory_space<hbm>>
    %dma_wait3A_140 = arith.constant 0 : i32
    %dma_wait3A_141 = tpu.memref_slice %arg7[%mul3A_132, %dma_wait3A_140] : memref<819200x128xf32, #tpu.memory_space<hbm>> -> memref<256x64xf32, #tpu.memory_space<hbm>>
    %dma_wait3A_142 = arith.constant 0 : i32
    %dma_wait3A_143 = arith.constant 0 : i32
    %dma_wait3A_144 = tpu.memref_slice %arg12[%dma_wait3A_133, %dma_wait3A_142, %dma_wait3A_143] : memref<2x256x64xf32, #tpu.memory_space<vmem>> -> memref<1x256x64xf32, #tpu.memory_space<vmem>>
    %dma_wait3A_145 = tpu.memref_squeeze %dma_wait3A_144 : memref<1x256x64xf32, #tpu.memory_space<vmem>> -> memref<256x64xf32, #tpu.memory_space<vmem>>
    tpu.wait_dma2 semaphore(%arg18 : memref<!tpu.dma_semaphore, #tpu.memory_space<semaphore_mem>>) src(%dma_wait3A_145 : memref<256x64xf32, #tpu.memory_space<vmem>>) dst(%dma_wait3A_141 : memref<256x64xf32, #tpu.memory_space<hbm>>)
    %dma_wait3A_146 = arith.constant 0 : i32
    %dma_wait3A_147 = arith.constant 0 : i32
    %dma_wait3A_148 = arith.constant 0 : i32
    %dma_wait3A_149 = tpu.memref_slice %arg13[%dma_wait3A_146, %dma_wait3A_147, %dma_wait3A_148] : memref<2x256x64xf32, #tpu.memory_space<vmem>> -> memref<1x256x64xf32, #tpu.memory_space<vmem>>
    %dma_wait3A_150 = tpu.memref_squeeze %dma_wait3A_149 : memref<1x256x64xf32, #tpu.memory_space<vmem>> -> memref<256x64xf32, #tpu.memory_space<vmem>>
    %dma_wait3A_151 = arith.constant 64 : i32
    %dma_wait3A_152 = tpu.memref_slice %arg7[%mul3A_132, %dma_wait3A_151] : memref<819200x128xf32, #tpu.memory_space<hbm>> -> memref<256x64xf32, #tpu.memory_space<hbm>>
    %dma_wait3A_153 = arith.constant 64 : i32
    %dma_wait3A_154 = tpu.memref_slice %arg7[%mul3A_132, %dma_wait3A_153] : memref<819200x128xf32, #tpu.memory_space<hbm>> -> memref<256x64xf32, #tpu.memory_space<hbm>>
    %dma_wait3A_155 = arith.constant 0 : i32
    %dma_wait3A_156 = arith.constant 0 : i32
    %dma_wait3A_157 = tpu.memref_slice %arg13[%dma_wait3A_146, %dma_wait3A_155, %dma_wait3A_156] : memref<2x256x64xf32, #tpu.memory_space<vmem>> -> memref<1x256x64xf32, #tpu.memory_space<vmem>>
    %dma_wait3A_158 = tpu.memref_squeeze %dma_wait3A_157 : memref<1x256x64xf32, #tpu.memory_space<vmem>> -> memref<256x64xf32, #tpu.memory_space<vmem>>
    tpu.wait_dma2 semaphore(%arg18 : memref<!tpu.dma_semaphore, #tpu.memory_space<semaphore_mem>>) src(%dma_wait3A_158 : memref<256x64xf32, #tpu.memory_space<vmem>>) dst(%dma_wait3A_154 : memref<256x64xf32, #tpu.memory_space<hbm>>)
    %add3A_159 = arith.constant 198 : i32
    %add3A_160 = arith.addi %mul3A_2, %add3A_159 : i32
    %mul3A_161 = arith.constant 128 : i32
    %mul3A_162 = arith.muli %add3A_160, %mul3A_161 : i32
    %dma_wait3A_163 = arith.constant 1 : i32
    %dma_wait3A_164 = arith.constant 0 : i32
    %dma_wait3A_165 = arith.constant 0 : i32
    %dma_wait3A_166 = tpu.memref_slice %arg12[%dma_wait3A_163, %dma_wait3A_164, %dma_wait3A_165] : memref<2x256x64xf32, #tpu.memory_space<vmem>> -> memref<1x256x64xf32, #tpu.memory_space<vmem>>
    %dma_wait3A_167 = tpu.memref_squeeze %dma_wait3A_166 : memref<1x256x64xf32, #tpu.memory_space<vmem>> -> memref<256x64xf32, #tpu.memory_space<vmem>>
    %dma_wait3A_168 = arith.constant 0 : i32
    %dma_wait3A_169 = tpu.memref_slice %arg7[%mul3A_162, %dma_wait3A_168] : memref<819200x128xf32, #tpu.memory_space<hbm>> -> memref<256x64xf32, #tpu.memory_space<hbm>>
    %dma_wait3A_170 = arith.constant 0 : i32
    %dma_wait3A_171 = tpu.memref_slice %arg7[%mul3A_162, %dma_wait3A_170] : memref<819200x128xf32, #tpu.memory_space<hbm>> -> memref<256x64xf32, #tpu.memory_space<hbm>>
    %dma_wait3A_172 = arith.constant 0 : i32
    %dma_wait3A_173 = arith.constant 0 : i32
    %dma_wait3A_174 = tpu.memref_slice %arg12[%dma_wait3A_163, %dma_wait3A_172, %dma_wait3A_173] : memref<2x256x64xf32, #tpu.memory_space<vmem>> -> memref<1x256x64xf32, #tpu.memory_space<vmem>>
    %dma_wait3A_175 = tpu.memref_squeeze %dma_wait3A_174 : memref<1x256x64xf32, #tpu.memory_space<vmem>> -> memref<256x64xf32, #tpu.memory_space<vmem>>
    tpu.wait_dma2 semaphore(%arg19 : memref<!tpu.dma_semaphore, #tpu.memory_space<semaphore_mem>>) src(%dma_wait3A_175 : memref<256x64xf32, #tpu.memory_space<vmem>>) dst(%dma_wait3A_171 : memref<256x64xf32, #tpu.memory_space<hbm>>)
    %dma_wait3A_176 = arith.constant 1 : i32
    %dma_wait3A_177 = arith.constant 0 : i32
    %dma_wait3A_178 = arith.constant 0 : i32
    %dma_wait3A_179 = tpu.memref_slice %arg13[%dma_wait3A_176, %dma_wait3A_177, %dma_wait3A_178] : memref<2x256x64xf32, #tpu.memory_space<vmem>> -> memref<1x256x64xf32, #tpu.memory_space<vmem>>
    %dma_wait3A_180 = tpu.memref_squeeze %dma_wait3A_179 : memref<1x256x64xf32, #tpu.memory_space<vmem>> -> memref<256x64xf32, #tpu.memory_space<vmem>>
    %dma_wait3A_181 = arith.constant 64 : i32
    %dma_wait3A_182 = tpu.memref_slice %arg7[%mul3A_162, %dma_wait3A_181] : memref<819200x128xf32, #tpu.memory_space<hbm>> -> memref<256x64xf32, #tpu.memory_space<hbm>>
    %dma_wait3A_183 = arith.constant 64 : i32
    %dma_wait3A_184 = tpu.memref_slice %arg7[%mul3A_162, %dma_wait3A_183] : memref<819200x128xf32, #tpu.memory_space<hbm>> -> memref<256x64xf32, #tpu.memory_space<hbm>>
    %dma_wait3A_185 = arith.constant 0 : i32
    %dma_wait3A_186 = arith.constant 0 : i32
    %dma_wait3A_187 = tpu.memref_slice %arg13[%dma_wait3A_176, %dma_wait3A_185, %dma_wait3A_186] : memref<2x256x64xf32, #tpu.memory_space<vmem>> -> memref<1x256x64xf32, #tpu.memory_space<vmem>>
    %dma_wait3A_188 = tpu.memref_squeeze %dma_wait3A_187 : memref<1x256x64xf32, #tpu.memory_space<vmem>> -> memref<256x64xf32, #tpu.memory_space<vmem>>
    tpu.wait_dma2 semaphore(%arg19 : memref<!tpu.dma_semaphore, #tpu.memory_space<semaphore_mem>>) src(%dma_wait3A_188 : memref<256x64xf32, #tpu.memory_space<vmem>>) dst(%dma_wait3A_184 : memref<256x64xf32, #tpu.memory_space<hbm>>)
    return
  }
}

</mosaic_0001>

<sc_bundles>
// kernel: kernel.3.cloned.1.call-start
scs
__scs_entry_jumppad:
0x0: {  	(pc) =	sbr.rel $0x88, $3  }
0x1: {  	(tag) =	ssettag $0x0;
	lr =	simm.s32 $0x1  }
0x2: {  	[smem:$0x3F9B] =	sst lr;
	_ =	strace $0xD0000000  }
0x3: {  	_ = 	snop  }
0x4: {  	_ = 	snop  }
0x5: {  	_ = 	snop  }
0x6: {  	_ = 	snop  }
0x7: {  	_ = 	snop  }
__scs_overlays_trampoline_lowered:
0x8: {  	[smem:$0x3FAA] =	sst s0  }
0x9: {  	[smem:$0x3FAB] =	sst s1  }
0xa: {  	[smem:$0x3FAC] =	sst s2  }
0xb: {  	[smem:$0x3FAD] =	sst s3  }
0xc: {  	[smem:$0x3FAE] =	sst s4  }
0xd: {  	[smem:$0x3FAF] =	sst s5  }
0xe: {  	[smem:$0x3FB0] =	sst s6  }
0xf: {  	[smem:$0x3FB1] =	sst s7  }
0x10: {  	[smem:$0x3FB2] =	sst s8  }
0x11: {  	[smem:$0x3FB3] =	sst s9;
	s0 =	simm.s32 @!p0 $0x0  }
0x12: {  	s1 =	sld [smem:$0x3F99];
	s0 =	simm.s32 @p0 $0x1  }
0x13: {  	[smem:$0x3FB4] =	sst s0;
	s0 =	simm.s32 @!p1 $0x0  }
0x14: {  	s2 =	sld [smem:$0x3F98];
	s0 =	simm.s32 @p1 $0x1  }
0x15: {  	[smem:$0x3FB5] =	sst s0;
	s0 =	simm.s32 @!p2 $0x0  }
0x16: {  	s3 =	sld [smem:$0x3FDB];
	s0 =	simm.s32 @p2 $0x1  }
0x17: {  	s4 =	simm.s32 $0x1BF5;
	[smem:$0x3FB7] =	sst s0  }
0x18: {  	s0 =	sld [smem:$0x3F9A];
	_ =	swait.ge [sflag:s4], $0x0  }
0x19: {  	s7 =	sld [smem:$0x3F9B]  }
0x1a: {  	s8 =	sadd.s32 $0xFFFFE003, lr  }
0x1b: {  	s9 =	sadd.s32 $0xFFFFFEF7, lr;
	s5 =	simm.s32 $0xFFFFFFFF;
	p2 =	slt.u32 s8, $0xFFFFF086  }
0x1c: {  	p1 =	slt.u32 s9, $0xF7A;
	s5 =	simm.s32 @!p2 $0x0  }
0x1d: {  	s5 =	simm.s32 @p1 $0x1;
	p0 =	seq.s32 s7, s2  }
0x1e: {  	s7 =	smul.u32 @!p0 $0xF7A, s2;
	p2 =	seq.s32 @!p0 s5, $0x0  }
0x1f: {  	s9 =	smul.u32 $0xF7A, s1;
	s8 =	simm.s32 @!p0 $0x1BF5;
	p2 =	por !p2, p0  }
0x20: {  	[sflag:s8] =	ssyncset.s32 @!p0 $0xFFFFF086;
	s6 =	sadd.s32 @!p0 s3, s7;
	s7 =	simm.s32 @!p0 $0x108  }
0x21: {  	s3 =	sadd.s32 s3, s9;
	s6 =	sadd.s32 @!p0 $0x88, s6;
	s7 =	simm.s32 @p2 $0x1082  }
0x22: {  	[simem:s7], [sflag:s8] =	dma.local @!p0 [hbm:s6], $0xF7A  }
0x23: {  	s9 =	sor.u32 $0xD0000000, s2;
	s6 =	simm.s32 $0x108;
	_ =	swait.ge @!p0 [sflag:s8], $0x0  }
0x24: {  	s3 =	sadd.s32 $0x88, s3;
	s6 =	simm.s32 @!p1 $0x1082;
	[sflag:s4] =	ssyncset.s32 $0xFFFFF086  }
0x25: {  	[simem:s6], [sflag:s4] =	dma.local [hbm:s3], $0xF7A  }
0x26: {  	[smem:$0x3F9B] =	sst s1;
	(tag) =	ssettag s2;
	_ =	strace s9  }
0x27: {  	s1 =	sld [smem:$0x3FAB]  }
0x28: {  	s2 =	sld [smem:$0x3FAC]  }
0x29: {  	s4 =	sld [smem:$0x3FAE]  }
0x2a: {  	p0 =	seq.s32 s5, $0x0;
	s5 =	sld [smem:$0x3FAF]  }
0x2b: {  	s6 =	sld [smem:$0x3FB0]  }
0x2c: {  	s7 =	sld [smem:$0x3FB1]  }
0x2d: {  	s3 =	simm.s32 $0x108;
	s8 =	sld [smem:$0x3FB2]  }
0x2e: {  	s3 =	simm.s32 @!p0 $0x1082;
	s9 =	sld [smem:$0x3FB3]  }
0x2f: {  	lr =	sadd.s32 s0, s3;
	s0 =	sld [smem:$0x3FAA]  }
0x30: {  	s3 =	sld [smem:$0x3FAD]  }
0x31: {  	[smem:$0x3FB6] =	sst s10  }
0x32: {  	s10 =	sld [smem:$0x3FB4];
	_ =	sdelay $0x3  }
0x33: {  	p0 =	seq.s32 s10, $0x1;
	s10 =	sld [smem:$0x3FB6];
	_ =	sdelay $0x3  }
0x34: {  	[smem:$0x3FB6] =	sst s10  }
0x35: {  	s10 =	sld [smem:$0x3FB5];
	_ =	sdelay $0x3  }
0x36: {  	p1 =	seq.s32 s10, $0x1;
	s10 =	sld [smem:$0x3FB6];
	_ =	sdelay $0x3  }
0x37: {  	[smem:$0x3FB6] =	sst s10  }
0x38: {  	s10 =	sld [smem:$0x3FB7]  }
0x39: {  	_ = 	snop;
	(pc) =	sbr.ind lr, $3  }
0x3a: {  	_ = 	snop  }
0x3b: {  	_ = 	snop  }
0x3c: {  	p2 =	seq.s32 s10, $0x1;
	s10 =	sld [smem:$0x3FB6]  }
0x3d: {  	_ =	shalt  }
0x3e: {  	_ =	shalt  }
0x3f: {  	_ =	shalt  }
0x40: {  	_ =	shalt  }
0x41: {  	_ =	shalt  }
0x42: {  	_ =	shalt  }
0x43: {  	_ =	shalt  }
0x44: {  	_ =	shalt  }
0x45: {  	_ =	shalt  }
0x46: {  	_ =	shalt  }
0x47: {  	_ =	shalt  }
0x48: {  	_ =	shalt  }
0x49: {  	_ =	shalt  }
0x4a: {  	_ =	shalt  }
0x4b: {  	_ =	shalt  }
0x4c: {  	_ =	shalt  }
0x4d: {  	_ =	shalt  }
0x4e: {  	_ =	shalt  }
0x4f: {  	_ =	shalt  }
0x50: {  	_ =	shalt  }
0x51: {  	_ =	shalt  }
0x52: {  	_ =	shalt  }
0x53: {  	_ =	shalt  }
0x54: {  	_ =	shalt  }
0x55: {  	_ =	shalt  }
0x56: {  	_ =	shalt  }
0x57: {  	_ =	shalt  }
0x58: {  	_ =	shalt  }
0x59: {  	_ =	shalt  }
0x5a: {  	_ =	shalt  }
0x5b: {  	_ =	shalt  }
0x5c: {  	_ =	shalt  }
0x5d: {  	_ =	shalt  }
0x5e: {  	_ =	shalt  }
0x5f: {  	_ =	shalt  }
0x60: {  	_ =	shalt  }
0x61: {  	_ =	shalt  }
0x62: {  	_ =	shalt  }
0x63: {  	_ =	shalt  }
0x64: {  	_ =	shalt  }
0x65: {  	_ =	shalt  }
0x66: {  	_ =	shalt  }
0x67: {  	_ =	shalt  }
0x68: {  	_ =	shalt  }
0x69: {  	_ =	shalt  }
0x6a: {  	_ =	shalt  }
0x6b: {  	_ =	shalt  }
0x6c: {  	_ =	shalt  }
0x6d: {  	_ =	shalt  }
0x6e: {  	_ =	shalt  }
0x6f: {  	_ =	shalt  }
0x70: {  	_ =	shalt  }
0x71: {  	_ =	shalt  }
0x72: {  	_ =	shalt  }
0x73: {  	_ =	shalt  }
0x74: {  	_ =	shalt  }
0x75: {  	_ =	shalt  }
0x76: {  	_ =	shalt  }
0x77: {  	_ =	shalt  }
0x78: {  	_ =	shalt  }
0x79: {  	_ =	shalt  }
0x7a: {  	_ =	shalt  }
0x7b: {  	_ =	shalt  }
0x7c: {  	_ =	shalt  }
0x7d: {  	_ =	shalt  }
0x7e: {  	_ =	shalt  }
0x7f: {  	_ =	shalt  }
0x80: {  	_ =	shalt  }
0x81: {  	_ =	shalt  }
0x82: {  	_ =	shalt  }
0x83: {  	_ =	shalt  }
0x84: {  	_ =	shalt  }
0x85: {  	_ =	shalt  }
0x86: {  	_ =	shalt  }
0x87: {  	_ =	shalt  }
.Lfunc_end0:
.L_simem_size_0:
called_computation_lowered:
.L_overlay_start_0:
0x88: {  	s2 =	sld [smem:$0x3FD9]  }
0x89: {  	s3 =	sld [smem:$0x3FFE];
	_ =	sdelay $0x1  }
0x8a: {  	s1 =	srdreg.scid  }
0x8b: {  	s0 =	sand.u32 $0x1, s1  }
0x8c: {  	s17 =	sshll.u32 s0, $0xA;
	s2 =	sadd.s32 s3, s2  }
0x8d: {  	s2 =	sadd.s32 s2, s17  }
0x8e: {  	[smem:$0x3FC2] =	sst s2  }
0x8f: {  	_ = 	snop  }
0x90: {  	s2 =	sld [smem:$0x3FD0];
	(tm) =	ssettm $0x1  }
0x91: {  	s18 =	sld [smem:$0x3FFB];
	_ =	sdelay $0x3  }
0x92: {  	_ =	strace s18  }
0x93: {  	s3 =	sld [smem:$0x3FFC];
	_ =	sdelay $0x3  }
0x94: {  	_ =	strace s3  }
0x95: {  	s3 =	sld [smem:$0x3FFD];
	_ =	sdelay $0x3  }
0x96: {  	_ =	strace s3  }
0x97: {  	_ =	strace $0x8FFFFFFF  }
0x98: {  	s19 =	sld [smem:$0x3FDB];
	_ =	sdelay $0x1  }
0x99: {  	s4 =	simm.s32 $_scs_section_size  }
0x9a: {  	s5 =	simm.s32 $_size__tile_overlayer_lowered;
	s6 =	simm.s32 $_tile_overlayer_lowered  }
0x9b: {  	s22 =	simm.s32 $0x1BFF;
	s21 =	sshll.u32 s6, $0x1;
	s3 =	sadd.s32 s4, s19  }
0x9c: {  	s7 =	simm.s32 $0x0;
	s20 =	sshll.u32 s5, $0x1;
	s5 =	sadd.s32 s21, s3  }
0x9d: {  	[timem:s7], [sflag:s22] =	dma.local [hbm:s5], s20  }
0x9e: {  	_ =	swait.ge [sflag:s22], s20  }
0x9f: {  	s4 =	ssub.s32 $0x0, s20;
	[sflag:s22] =	ssyncset.done $0x0  }
0xa0: {  	[sflag:s22] =	ssyncadd.s32 s4;
	_ =	sdelay $0x1  }
0xa1: {  	s23 =	simm.s32 $0x1B8B  }
0xa2: {  	_ =	swait.ge [sflag:s23], $0x1  }
0xa3: {  	[sflag:s23] =	ssyncset.done $0x0  }
0xa4: {  	s25 =	simm.s32 $0x1B8E;
	s24 =	sld [smem:$0x3FFE];
	[sflag:s23] =	ssyncadd.s32 $0xFFFFFFFF  }
0xa5: {  	s26 =	simm.s32 $execute0_lowered;
	[smem:$0x3FD2] =	sst s25  }
0xa6: {  	s5 =	sshll.u32 s26, $0x1;
	_ =	strace $0x80000046;
	[dreg:$0x1] =	wrdreg $0xFFFFFFFF  }
0xa7: {  	s28 =	simm.s32 $_size_execute0_lowered;
	s3 =	sadd.s32 s3, s5;
	[dreg:$0x0] =	wrdreg $0x0  }
0xa8: {  	s5 =	sshll.u32 s28, $0x1;
	[dreg:$0x2] =	wrdreg s3  }
0xa9: {  	[dreg:$0x3] =	wrdreg s5  }
0xaa: {  	[dreg:$0x4] =	wrdreg $0xC0  }
0xab: {  	_ =	task [dreg:s7], $0x5FFFF  }
0xac: {  	[dreg:$0x1] =	wrdreg $0xFFFFFFFF  }
0xad: {  	[dreg:$0x0] =	wrdreg $0x60  }
0xae: {  	[dreg:$0x2] =	wrdreg s24  }
0xaf: {  	[dreg:$0x3] =	wrdreg s2  }
0xb0: {  	[dreg:$0x4] =	wrdreg $0x9  }
0xb1: {  	_ =	task.clear_ibuf [dreg:s7], $0x5FFFF;
	_ =	strace $0x90000046  }
0xb2: {  	s29 =	simm.s32 $0x9;
	_ =	strace $0x80000048  }
0xb3: {  	_ =	swait.ge [sflag:s29], $0x1  }
0xb4: {  	[sflag:s29] =	ssyncadd.s32 $0xFFFFFFFF  }
0xb5: {  	_ =	strace $0x90000048  }
0xb6: {  	_ =	sfence  }
0xb7: {  	s30 =	sld [smem:$0x0];
	_ =	sdelay $0x2  }
0xb8: {  	s31 =	sshll.u32 s1, $0xD;
	s1 =	sshrl.u32 s1, $0x2  }
0xb9: {  	s3 =	sand.u32 $0x4000, s31;
	s1 =	sadd.s32 s1, s30  }
0xba: {  	s0 =	sor.u32 s3, s0;
	s1 =	sshll.u32 s1, $0x11  }
0xbb: {  	s0 =	sor.u32 s1, s0  }
0xbc: {  	s0 =	sadd.s32 $0x8F2B, s0  }
0xbd: {  	[sflag:s0] =	ssyncadd.remote.s32 $0x1  }
0xbe: {  	_ =	sfence.sel $0xFFFF  }
0xbf: {  	[dreg:$0x0] =	wrdreg $0xFFFFFFFF;
	(pc) =	sbr.abs _section_cstart, $3  }
0xc0: {  	[dreg:$0x1] =	wrdreg $0xFFFFFFFF  }
0xc1: {  	_ =	task.clear_ibuf [dreg:s7], $0x2FFFF;
	_ =	strace $0x9FFFFFFF  }
0xc2: {  	(tm) =	ssettm $0x7FFFFFFF  }
0xc3: {  	_ =	shalt  }
tec
execute0_lowered:
.L_overlay_start_1:
0x0: {  	(tag) =	ssettag $0x1  }
0x1: {  	s0 =	rddreg [dreg:$0x0]  }
0x2: {  	s14 =	rddreg [dreg:$0x1]  }
0x3: {  	s1 =	srdreg.scid;
	s13 =	stileid.u32;
	s3 =	simm.s32 $0x0  }
0x4: {  	s28 =	simm.s32 $0x8800;
	s1 =	sand.u32 $0x1, s1;
	s2 =	sshll.u32 s13, $0x1  }
0x5: {  	[smem:$0x7FF] =	sst s3;
	s6 =	sadd.s32 $0x81E00, s0;
	s11 =	smul.u32 $0x640000, s13  }
0x6: {  	s8 =	sadd.s32 $0x68E00, s0;
	s10 =	sadd.s32 $0x4FE00, s0;
	s13 =	smul.u32 $0x190, s13  }
0x7: {  	s4 =	sadd.s32 $0xF43400, s0;
	s5 =	sadd.s32 $0xE00, s0;
	s12 =	smul.u32 $0x320000, s1  }
0x8: {  	s2 =	sor.u32 s1, s2;
	s9 =	ssub.s32 $0x2, s1;
	s1 =	smul.u32 $0xC8, s1  }
0x9: {  	_ =	strace $0x80000047;
	s7 =	smul.u32 $0xC80, s2;
	s19 =	sshrl.u32 s9, $0x1  }
0xa: {  	s2 =	smul.u32 $0x320000, s2;
	s0 =	ssub.s32 s9, s19;
	s9 =	sadd.s32 $0x8, s14  }
0xb: {  	s23 =	sadd.s32 s12, s11;
	s1 =	sadd.s32 s1, s13;
	s11 =	simm.s32 $0xC800  }
0xc: {  	s13 =	simm.s32 $0x6800;
	s20 =	sadd.s32 s6, s7;
	s21 =	sadd.s32 s8, s7  }
0xd: {  	s2 =	sshrl.u32 s2, $0x3;
	s7 =	sadd.s32 s10, s7;
	[dreg:$0x3] =	wrdreg s20  }
0xe: {  	s24 =	sshrl.u32 s23, $0x3;
	s25 =	sshll.u32 s1, $0x4;
	[dreg:$0x4] =	wrdreg s21  }
0xf: {  	s0 =	smax.u32 s0, $0x1;
	s31 =	sshll.u32 s1, $0xB;
	[dreg:$0x5] =	wrdreg s7  }
0x10: {  	s23 =	simm.s32 $0x1;
	s2 =	sadd.s32 s14, s2;
	[dreg:$0x8] =	wrdreg s0  }
0x11: {  	s26 =	sadd.s32 s24, s9;
	s29 =	sor.u32 $0x40, s25;
	s30 =	sor.u32 $0x20, s25  }
0x12: {  	s0 =	sadd.s32 $0x1FFFF000, s31;
	s24 =	simm.s32 $0x80;
	s25 =	simm.s32 $0x800  }
0x13: {  	s7 =	simm.s32 $0x2;
	s20 =	simm.s32 $0x780;
	s21 =	simm.s32 $0x3  }
0x14: {  	s22 =	sadd.s32 $0x63000, s2;
	s2 =	sadd.s32 $0x63008, s2;
	[dreg:$0x9] =	wrdreg s26  }
.Ltmp0:
0x15: {  	s14 =	sadd.s32 s29, s6;
	s15 =	sadd.s32 s29, s8;
	(pc) =	sbr.rel .LBB2_1-.Ltmp0, $4  }
0x16: {  	s16 =	sadd.s32 s29, s10;
	s17 =	sadd.s32 s30, s6;
	s18 =	sadd.s32 s30, s8  }
0x17: {  	s19 =	sadd.s32 s30, s10;
	[dreg:$0xa] =	wrdreg s0;
	s0 =	simm.s32 $0x100  }
0x18: {  	s8 =	simm.s32 $0x4800;
	s10 =	simm.s32 $0x0;
	[dreg:$0x6] =	wrdreg s22  }
0x19: {  	[dreg:$0x7] =	wrdreg s2;
	s2 =	simm.s32 $0xE800;
	s22 =	simm.s32 $0x40  }
.LBB2_4:
0x1a: {  	s1 =	simm.s32 $0x4  }
0x1b: {  	_ =	swait.ge [sflag:s1], $0x2000  }
0x1c: {  	[sflag:s1] =	ssyncset.done $0x0  }
0x1d: {  	[sflag:s1] =	ssyncadd.s32 $0xFFFFE000  }
0x1e: {  	_ =	swait.ge [sflag:s1], $0x2000  }
0x1f: {  	[sflag:s1] =	ssyncset.done $0x0  }
0x20: {  	[sflag:s1] =	ssyncadd.s32 $0xFFFFE000  }
0x21: {  	_ =	swait.ge [sflag:s1], $0x2000  }
0x22: {  	[sflag:s1] =	ssyncset.done $0x0  }
0x23: {  	[sflag:s1] =	ssyncadd.s32 $0xFFFFE000  }
0x24: {  	_ =	swait.ge [sflag:s1], $0x2000  }
0x25: {  	[sflag:s1] =	ssyncset.done $0x0  }
0x26: {  	s26 =	rddreg [dreg:$0x6];
	[sflag:s1] =	ssyncadd.s32 $0xFFFFE000  }
0x27: {  	[hbm4b:s26+s22] =	stream.strided.scatter [tilespmem:s8], [sflag:$0x6], $0x4000, s24, s22, $0x38;
	[tilespmem:$0x10800] =	vst v63  }
0x28: {  	s30 =	simm.s32 $0x5;
	s29 =	rddreg [dreg:$0x7]  }
0x29: {  	[hbm4b:s29+s22] =	stream.strided.scatter [tilespmem:s11], [sflag:$0x6], $0x4000, s24, s22, $0x38;
	[tilespmem:$0x10800] =	vst v63  }
0x2a: {  	_ =	swait.ge [sflag:s30], $0x4000  }
0x2b: {  	[sflag:s30] =	ssyncset.done $0x0  }
0x2c: {  	[sflag:s30] =	ssyncadd.s32 $0xFFFFC000  }
0x2d: {  	_ =	swait.ge [sflag:s30], $0x4000  }
0x2e: {  	[sflag:s30] =	ssyncset.done $0x0  }
0x2f: {  	s6 =	simm.s32 $0x6;
	[sflag:s30] =	ssyncadd.s32 $0xFFFFC000  }
0x30: {  	_ =	swait.ge [sflag:s6], $0x4000  }
0x31: {  	[sflag:s6] =	ssyncset.done $0x0  }
0x32: {  	[sflag:s6] =	ssyncadd.s32 $0xFFFFC000  }
0x33: {  	_ =	swait.ge [sflag:s6], $0x4000  }
0x34: {  	s10 =	rddreg [dreg:$0xb]  }
0x35: {  	s31 =	rddreg [dreg:$0x8];
	s10 =	sadd.s32 $0x1, s10  }
0x36: {  	p0 =	sne.s32 s10, s31  }
.Ltmp1:
0x37: {  	_ = 	snop;
	(pc) =	sbr.rel @!p0 .LBB2_5-.Ltmp1, $3  }
0x38: {  	_ =	sdelay $0x1  }
0x39: {  	[sflag:s6] =	ssyncset.done $0x0  }
0x3a: {  	[sflag:s6] =	ssyncadd.s32 $0xFFFFC000  }
.LBB2_1:
0x3b: {  	[dreg:$0xb] =	wrdreg s10  }
0x3c: {  	s1 =	rddreg [dreg:$0x3]  }
0x3d: {  	s12 =	rddreg [dreg:$0x4]  }
0x3e: {  	[tilespmem:s3], [sflag:$0x1] =	stream.linear.gather [hbm4b:s1+s3], $0x100, $0x38;
	[tilespmem:$0x10800] =	vst v63  }
0x3f: {  	s6 =	simm.s32 $0x200;
	s26 =	rddreg [dreg:$0x5]  }
0x40: {  	[tilespmem:s6], [sflag:$0x1] =	stream.linear.gather [hbm4b:s12+s3], $0x100, $0x38;
	[tilespmem:$0x10800] =	vst v63  }
0x41: {  	s31 =	simm.s32 $0x400;
	s30 =	rddreg [dreg:$0x9]  }
0x42: {  	[tilespmem:s31], [sflag:$0x1] =	stream.linear.gather [hbm4b:s26+s3], $0x100, $0x38;
	[tilespmem:$0x10800] =	vst v63  }
0x43: {  	s29 =	simm.s32 $0x0;
	s26 =	rddreg [dreg:$0xa]  }
.LBB2_2:
0x44: {  	p0 =	seq.s32 s29, $0x0  }
0x45: {  	s31 =	simm.s32 @!p0 $0x5  }
0x46: {  	_ =	swait.ge @!p0 [sflag:s31], $0x4000  }
0x47: {  	[sflag:s31] =	ssyncset.done @!p0 $0x0  }
0x48: {  	[sflag:s31] =	ssyncadd.s32 @!p0 $0xFFFFC000  }
0x49: {  	_ =	swait.ge @!p0 [sflag:s31], $0x4000  }
0x4a: {  	[sflag:s31] =	ssyncset.done @!p0 $0x0  }
0x4b: {  	[sflag:s31] =	ssyncadd.s32 @!p0 $0xFFFFC000  }
0x4c: {  	_ =	swait.ge [sflag:s23], $0x100  }
0x4d: {  	[sflag:s23] =	ssyncset.done $0x0  }
0x4e: {  	[sflag:s23] =	ssyncadd.s32 $0xFFFFFF00  }
0x4f: {  	_ =	swait.ge [sflag:s23], $0x100  }
0x50: {  	[sflag:s23] =	ssyncset.done $0x0  }
0x51: {  	[sflag:s23] =	ssyncadd.s32 $0xFFFFFF00  }
0x52: {  	_ =	swait.ge [sflag:s23], $0x100  }
0x53: {  	[sflag:s23] =	ssyncset.done $0x0  }
0x54: {  	[sflag:s23] =	ssyncadd.s32 $0xFFFFFF00  }
0x55: {  	v0 =	vld [tilespmem:$0x200]  }
0x56: {  	v1 =	vld [tilespmem:$0x400]  }
0x57: {  	v2 =	vld [tilespmem:$0x210]  }
0x58: {  	v3 =	vld [tilespmem:$0x410]  }
0x59: {  	v4 =	vld [tilespmem:$0x220]  }
0x5a: {  	v5 =	vld [tilespmem:$0x420]  }
0x5b: {  	v6 =	vld [tilespmem:$0x230]  }
0x5c: {  	v7 =	vld [tilespmem:$0x430]  }
0x5d: {  	v8 =	vld [tilespmem:$0x240]  }
0x5e: {  	v9 =	vld [tilespmem:$0x440]  }
0x5f: {  	v10 =	vld [tilespmem:$0x250]  }
0x60: {  	v11 =	vld [tilespmem:$0x450]  }
0x61: {  	v12 =	vld [tilespmem:$0x260]  }
0x62: {  	v13 =	vld [tilespmem:$0x460]  }
0x63: {  	v14 =	vld [tilespmem:$0x270]  }
0x64: {  	v15 =	vld [tilespmem:$0x470]  }
0x65: {  	v16 =	vld [tilespmem:$0x280]  }
0x66: {  	v17 =	vld [tilespmem:$0x480]  }
0x67: {  	v18 =	vld [tilespmem:$0x290]  }
0x68: {  	v19 =	vld [tilespmem:$0x490];
	v0 =	vmul.u32 $0xC9, v0  }
0x69: {  	v20 =	vld [tilespmem:$0x2A0];
	v2 =	vmul.u32 $0xC9, v2  }
0x6a: {  	v49 =	vld [tilespmem:$0x4A0];
	v48 =	vmul.u32 $0xC9, v4;
	v0 =	vadd.s32 v1, v0  }
0x6b: {  	v52 =	vld [tilespmem:$0x2B0];
	v51 =	vmul.u32 $0xC9, v6;
	v50 =	vadd.s32 v3, v2;
	[tilespmem:$0x600] =	vst v0  }
0x6c: {  	v55 =	vld [tilespmem:$0x4B0];
	v54 =	vmul.u32 $0xC9, v8;
	v53 =	vadd.s32 v5, v48;
	[tilespmem:$0x610] =	vst v50  }
0x6d: {  	v58 =	vld [tilespmem:$0x2C0];
	v57 =	vmul.u32 $0xC9, v10;
	v56 =	vadd.s32 v7, v51;
	[tilespmem:$0x620] =	vst v53  }
0x6e: {  	v61 =	vld [tilespmem:$0x4C0];
	v60 =	vmul.u32 $0xC9, v12;
	v59 =	vadd.s32 v9, v54;
	[tilespmem:$0x630] =	vst v56  }
0x6f: {  	v25 =	vld [tilespmem:$0x2E0];
	v63 =	vmul.u32 $0xC9, v14;
	v62 =	vadd.s32 v11, v57;
	[tilespmem:$0x640] =	vst v59  }
0x70: {  	v28 =	vld [tilespmem:$0x2F0];
	v21 =	vmul.u32 $0xC9, v16;
	v14 =	vadd.s32 v13, v60;
	[tilespmem:$0x650] =	vst v62  }
0x71: {  	v31 =	vld [tilespmem:$0x4E0];
	v24 =	vmul.u32 $0xC9, v18;
	v23 =	vadd.s32 v15, v63;
	[tilespmem:$0x660] =	vst v14  }
0x72: {  	v12 =	vld [tilespmem:$0x2D0];
	v27 =	vmul.u32 $0xC9, v20;
	v26 =	vadd.s32 v17, v21;
	[tilespmem:$0x670] =	vst v23  }
0x73: {  	v34 =	vld [tilespmem:$0x4F0];
	v30 =	vmul.u32 $0xC9, v52;
	v29 =	vadd.s32 v19, v24;
	[tilespmem:$0x680] =	vst v26  }
0x74: {  	v22 =	vld [tilespmem:$0x4D0];
	v33 =	vmul.u32 $0xC9, v58;
	v32 =	vadd.s32 v49, v27;
	[tilespmem:$0x690] =	vst v29  }
0x75: {  	v38 =	vmul.u32 $0xC9, v25;
	v35 =	vadd.s32 v55, v30;
	[tilespmem:$0x6A0] =	vst v32  }
0x76: {  	v40 =	vmul.u32 $0xC9, v28;
	v37 =	vadd.s32 v61, v33;
	[tilespmem:$0x6B0] =	vst v35  }
0x77: {  	v41 =	vadd.s32 v31, v38;
	[tilespmem:$0x6C0] =	vst v37;
	v36 =	vmul.u32 $0xC9, v12  }
0x78: {  	v42 =	vadd.s32 v34, v40;
	[tilespmem:$0x6E0] =	vst v41  }
0x79: {  	[tilespmem:$0x6F0] =	vst v42;
	v39 =	vadd.s32 v22, v36  }
0x7a: {  	[tilespmem:$0x6D0] =	vst v39  }
0x7b: {  	[tilespmem:s25], [sflag:$0x3] =	stream.indirect.gather [hbm4b:s4+s24], $0x40, s3, s24, $0xb8;
	[tilespmem:$0x10800] =	vst v63  }
0x7c: {  	s1 =	simm.s32 $0x600  }
0x7d: {  	[tilespmem:s28], [sflag:$0x3] =	stream.indirect.gather [hbm4b:s5+s24], $0x40, s1, s24, $0xb8;
	[tilespmem:$0x10800] =	vst v63  }
0x7e: {  	s10 =	simm.s32 $0x2800  }
0x7f: {  	[tilespmem:s10], [sflag:$0x3] =	stream.indirect.gather [hbm4b:s4+s24], $0x40, s24, s24, $0xb8;
	[tilespmem:$0x10800] =	vst v63  }
0x80: {  	s12 =	simm.s32 $0x680;
	s6 =	simm.s32 $0xA800;
	s31 =	simm.s32 @!p0 $0x4  }
0x81: {  	[tilespmem:s6], [sflag:$0x3] =	stream.indirect.gather [hbm4b:s5+s24], $0x40, s12, s24, $0xb8;
	[tilespmem:$0x10800] =	vst v63  }
0x82: {  	_ =	swait.ge @!p0 [sflag:s31], $0x2000  }
0x83: {  	[sflag:s31] =	ssyncset.done @!p0 $0x0  }
0x84: {  	[sflag:s31] =	ssyncadd.s32 @!p0 $0xFFFFE000  }
0x85: {  	_ =	swait.ge @!p0 [sflag:s31], $0x2000  }
0x86: {  	[sflag:s31] =	ssyncset.done @!p0 $0x0  }
0x87: {  	[sflag:s31] =	ssyncadd.s32 @!p0 $0xFFFFE000  }
0x88: {  	_ =	swait.ge @!p0 [sflag:s31], $0x2000  }
0x89: {  	[sflag:s31] =	ssyncset.done @!p0 $0x0  }
0x8a: {  	[sflag:s31] =	ssyncadd.s32 @!p0 $0xFFFFE000  }
0x8b: {  	_ =	swait.ge @!p0 [sflag:s31], $0x2000  }
0x8c: {  	[sflag:s31] =	ssyncset.done @!p0 $0x0  }
0x8d: {  	[sflag:s31] =	ssyncadd.s32 @!p0 $0xFFFFE000  }
0x8e: {  	s1 =	sand.u32 @!p0 $0x1FFFF000, s26;
	s10 =	simm.s32 @!p0 $0x80;
	s6 =	rddreg [dreg:$0x1]  }
0x8f: {  	s12 =	simm.s32 @!p0 $0x4800;
	s31 =	sadd.s32 @!p0 s6, s1;
	s6 =	simm.s32 @!p0 $0x40  }
0x90: {  	[hbm4b:s31+s6] =	stream.strided.scatter @!p0 [tilespmem:s12], [sflag:$0x6], $0x4000, s10, s6, $0x38;
	[tilespmem:$0x10800] =	vst v63  }
0x91: {  	s1 =	sadd.s32 @!p0 s1, s9;
	s12 =	simm.s32 @!p0 $0xC800  }
0x92: {  	[hbm4b:s1+s6] =	stream.strided.scatter @!p0 [tilespmem:s12], [sflag:$0x6], $0x4000, s10, s6, $0x38;
	[tilespmem:$0x10800] =	vst v63  }
0x93: {  	s31 =	sadd.s32 s29, s17  }
0x94: {  	[tilespmem:s0], [sflag:$0x2] =	stream.linear.gather [hbm4b:s31+s3], $0x100, $0x38;
	[tilespmem:$0x10800] =	vst v63  }
0x95: {  	s6 =	sadd.s32 s29, s18;
	s10 =	simm.s32 $0x300  }
0x96: {  	[tilespmem:s10], [sflag:$0x2] =	stream.linear.gather [hbm4b:s6+s3], $0x100, $0x38;
	[tilespmem:$0x10800] =	vst v63  }
0x97: {  	s12 =	sadd.s32 s29, s19;
	s1 =	simm.s32 @!p0 $0x6;
	s31 =	simm.s32 $0x500  }
0x98: {  	[tilespmem:s31], [sflag:$0x2] =	stream.linear.gather [hbm4b:s12+s3], $0x100, $0x38;
	[tilespmem:$0x10800] =	vst v63  }
0x99: {  	_ =	swait.ge @!p0 [sflag:s1], $0x4000  }
0x9a: {  	[sflag:s1] =	ssyncset.done @!p0 $0x0  }
0x9b: {  	[sflag:s1] =	ssyncadd.s32 @!p0 $0xFFFFC000  }
0x9c: {  	_ =	swait.ge @!p0 [sflag:s1], $0x4000  }
0x9d: {  	[sflag:s1] =	ssyncset.done @!p0 $0x0  }
0x9e: {  	[sflag:s1] =	ssyncadd.s32 @!p0 $0xFFFFC000  }
0x9f: {  	_ =	swait.ge [sflag:s7], $0x100  }
0xa0: {  	[sflag:s7] =	ssyncset.done $0x0  }
0xa1: {  	[sflag:s7] =	ssyncadd.s32 $0xFFFFFF00  }
0xa2: {  	_ =	swait.ge [sflag:s7], $0x100  }
0xa3: {  	[sflag:s7] =	ssyncset.done $0x0  }
0xa4: {  	[sflag:s7] =	ssyncadd.s32 $0xFFFFFF00  }
0xa5: {  	_ =	swait.ge [sflag:s7], $0x100  }
0xa6: {  	[sflag:s7] =	ssyncset.done $0x0  }
0xa7: {  	[sflag:s7] =	ssyncadd.s32 $0xFFFFFF00  }
0xa8: {  	v43 =	vld [tilespmem:$0x300]  }
0xa9: {  	v44 =	vld [tilespmem:$0x500]  }
0xaa: {  	v45 =	vld [tilespmem:$0x310]  }
0xab: {  	v46 =	vld [tilespmem:$0x510]  }
0xac: {  	v47 =	vld [tilespmem:$0x320]  }
0xad: {  	v48 =	vld [tilespmem:$0x520]  }
0xae: {  	v49 =	vld [tilespmem:$0x330]  }
0xaf: {  	v50 =	vld [tilespmem:$0x530]  }
0xb0: {  	v51 =	vld [tilespmem:$0x340]  }
0xb1: {  	v52 =	vld [tilespmem:$0x540]  }
0xb2: {  	v53 =	vld [tilespmem:$0x350]  }
0xb3: {  	v54 =	vld [tilespmem:$0x550]  }
0xb4: {  	v55 =	vld [tilespmem:$0x360]  }
0xb5: {  	v56 =	vld [tilespmem:$0x560]  }
0xb6: {  	v57 =	vld [tilespmem:$0x370]  }
0xb7: {  	v58 =	vld [tilespmem:$0x570]  }
0xb8: {  	v59 =	vld [tilespmem:$0x380]  }
0xb9: {  	v60 =	vld [tilespmem:$0x580]  }
0xba: {  	v61 =	vld [tilespmem:$0x390]  }
0xbb: {  	v62 =	vld [tilespmem:$0x590];
	v0 =	vmul.u32 $0xC9, v43  }
0xbc: {  	v63 =	vld [tilespmem:$0x3A0];
	v2 =	vmul.u32 $0xC9, v45  }
0xbd: {  	v25 =	vld [tilespmem:$0x5A0];
	v24 =	vmul.u32 $0xC9, v47;
	v0 =	vadd.s32 v44, v0  }
0xbe: {  	v28 =	vld [tilespmem:$0x3B0];
	v27 =	vmul.u32 $0xC9, v49;
	v26 =	vadd.s32 v46, v2;
	[tilespmem:$0x700] =	vst v0  }
0xbf: {  	v31 =	vld [tilespmem:$0x5B0];
	v30 =	vmul.u32 $0xC9, v51;
	v29 =	vadd.s32 v48, v24;
	[tilespmem:$0x710] =	vst v26  }
0xc0: {  	v34 =	vld [tilespmem:$0x3C0];
	v33 =	vmul.u32 $0xC9, v53;
	v32 =	vadd.s32 v50, v27;
	[tilespmem:$0x720] =	vst v29  }
0xc1: {  	v37 =	vld [tilespmem:$0x5C0];
	v36 =	vmul.u32 $0xC9, v55;
	v35 =	vadd.s32 v52, v30;
	[tilespmem:$0x730] =	vst v32  }
0xc2: {  	v40 =	vld [tilespmem:$0x3D0];
	v39 =	vmul.u32 $0xC9, v57;
	v38 =	vadd.s32 v54, v33;
	[tilespmem:$0x740] =	vst v35  }
0xc3: {  	v42 =	vmul.u32 $0xC9, v59;
	v43 =	vld [tilespmem:$0x5D0];
	v41 =	vadd.s32 v56, v36;
	[tilespmem:$0x750] =	vst v38  }
0xc4: {  	v45 =	vmul.u32 $0xC9, v61;
	v49 =	vld [tilespmem:$0x3F0];
	v44 =	vadd.s32 v58, v39;
	[tilespmem:$0x760] =	vst v41  }
0xc5: {  	v51 =	vmul.u32 $0xC9, v28;
	v46 =	vld [tilespmem:$0x3E0];
	v47 =	vadd.s32 v60, v42;
	[tilespmem:$0x770] =	vst v44  }
0xc6: {  	v55 =	vld [tilespmem:$0x5F0];
	v48 =	vmul.u32 $0xC9, v63;
	v50 =	vadd.s32 v62, v45;
	[tilespmem:$0x780] =	vst v47  }
0xc7: {  	v52 =	vld [tilespmem:$0x5E0];
	v54 =	vmul.u32 $0xC9, v34;
	v56 =	vadd.s32 v31, v51;
	[tilespmem:$0x790] =	vst v50  }
0xc8: {  	v57 =	vmul.u32 $0xC9, v40;
	[tilespmem:$0x7B0] =	vst v56;
	v53 =	vadd.s32 v25, v48  }
0xc9: {  	v58 =	vadd.s32 v37, v54;
	[tilespmem:$0x7A0] =	vst v53;
	v61 =	vmul.u32 $0xC9, v49  }
0xca: {  	[tilespmem:$0x7C0] =	vst v58;
	v60 =	vadd.s32 v43, v57;
	v59 =	vmul.u32 $0xC9, v46  }
0xcb: {  	[tilespmem:$0x7D0] =	vst v60;
	v63 =	vadd.s32 v55, v61  }
0xcc: {  	[tilespmem:$0x7F0] =	vst v63;
	v62 =	vadd.s32 v52, v59  }
0xcd: {  	[tilespmem:$0x7E0] =	vst v62  }
0xce: {  	[tilespmem:s8], [sflag:$0x4] =	stream.indirect.gather [hbm4b:s4+s24], $0x40, s0, s24, $0xb8;
	[tilespmem:$0x10800] =	vst v63  }
0xcf: {  	s10 =	simm.s32 $0x700  }
0xd0: {  	[tilespmem:s11], [sflag:$0x4] =	stream.indirect.gather [hbm4b:s5+s24], $0x40, s10, s24, $0xb8;
	[tilespmem:$0x10800] =	vst v63  }
0xd1: {  	s12 =	simm.s32 $0x180  }
0xd2: {  	[tilespmem:s13], [sflag:$0x4] =	stream.indirect.gather [hbm4b:s4+s24], $0x40, s12, s24, $0xb8;
	[tilespmem:$0x10800] =	vst v63  }
0xd3: {  	_ = 	snop  }
0xd4: {  	[tilespmem:s2], [sflag:$0x4] =	stream.indirect.gather [hbm4b:s5+s24], $0x40, s20, s24, $0xb8;
	[tilespmem:$0x10800] =	vst v63  }
0xd5: {  	_ =	swait.ge [sflag:s21], $0x2000  }
0xd6: {  	[sflag:s21] =	ssyncset.done $0x0  }
0xd7: {  	[sflag:s21] =	ssyncadd.s32 $0xFFFFE000  }
0xd8: {  	_ =	swait.ge [sflag:s21], $0x2000  }
0xd9: {  	[sflag:s21] =	ssyncset.done $0x0  }
0xda: {  	[sflag:s21] =	ssyncadd.s32 $0xFFFFE000  }
0xdb: {  	_ =	swait.ge [sflag:s21], $0x2000  }
0xdc: {  	[sflag:s21] =	ssyncset.done $0x0  }
0xdd: {  	[sflag:s21] =	ssyncadd.s32 $0xFFFFE000  }
0xde: {  	p0 =	seq.s32 s29, $0xC40;
	_ =	swait.ge [sflag:s21], $0x2000  }
.Ltmp2:
0xdf: {  	[sflag:s21] =	ssyncset.done $0x0;
	(pc) =	sbr.rel @p0 .LBB2_4-.Ltmp2, $4  }
0xe0: {  	s31 =	sadd.s32 $0xFFFFFFF8, s30;
	[sflag:s21] =	ssyncadd.s32 $0xFFFFE000  }
0xe1: {  	[hbm4b:s31+s22] =	stream.strided.scatter [tilespmem:s25], [sflag:$0x5], $0x4000, s24, s22, $0x38;
	[tilespmem:$0x10800] =	vst v63  }
0xe2: {  	_ = 	snop  }
0xe3: {  	[hbm4b:s30+s22] =	stream.strided.scatter [tilespmem:s28], [sflag:$0x5], $0x4000, s24, s22, $0x38;
	[tilespmem:$0x10800] =	vst v63  }
0xe4: {  	s1 =	sadd.s32 s29, s14  }
0xe5: {  	[tilespmem:s3], [sflag:$0x1] =	stream.linear.gather [hbm4b:s1+s3], $0x100, $0x38;
	[tilespmem:$0x10800] =	vst v63  }
.Ltmp3:
0xe6: {  	s10 =	sadd.s32 s29, s15;
	(pc) =	sbr.rel .LBB2_2-.Ltmp3, $4  }
0xe7: {  	s6 =	simm.s32 $0x200;
	s12 =	sadd.s32 s29, s16;
	s31 =	simm.s32 $0x400  }
0xe8: {  	[tilespmem:s6], [sflag:$0x1] =	stream.linear.gather [hbm4b:s10+s3], $0x100, $0x38;
	[tilespmem:$0x10800] =	vst v63  }
0xe9: {  	s30 =	sadd.s32 $0x2000, s30;
	s29 =	sadd.s32 $0x40, s29;
	s26 =	sadd.s32 $0x2000, s26  }
0xea: {  	[tilespmem:s31], [sflag:$0x1] =	stream.linear.gather [hbm4b:s12+s3], $0x100, $0x38;
	[tilespmem:$0x10800] =	vst v63  }
.LBB2_5:
0xeb: {  	_ =	sfence.sel $0x180000  }
0xec: {  	[bflag:$0x0] =	sbarrier.arrive $0xFFFF  }
0xed: {  	_ =	strace $0x90000047  }
0xee: {  	s0 =	stileid.u32;
	[bflag:$0x2] =	sbarrier.arrive $0xFFFF  }
0xef: {  	p0 =	sne.s32 s0, $0x0;
	s0 =	rddreg [dreg:$0x2]  }
0xf0: {  	s0 =	sadd.s32 @!p0 $0x100000, s0  }
0xf1: {  	[sflag:s0] =	ssyncadd.tile.s32 @!p0 $0x1;
	_ =	shalt  }
.Lfunc_end2:
_tile_overlayer_lowered:
.L_overlay_start_2:
0xf2: {  	(tag) =	ssettag $0x2  }
0xf3: {  	s0 =	rddreg [dreg:$0x0];
	s2 =	stileid.u32  }
0xf4: {  	s1 =	rddreg [dreg:$0x1];
	p0 =	sne.s32 s2, $0x0  }
0xf5: {  	s3 =	rddreg [dreg:$0x2];
	[bflag:$0x3] =	sbarrier.arrive $0xFFFF;
	s2 =	simm.s32 @!p0 $0x1C07  }
0xf6: {  	[timem:s3], [sflag:s2] =	dma.local @!p0 [hbm:s0], s1  }
0xf7: {  	s0 =	simm.s32 @!p0 $0x7  }
0xf8: {  	_ =	swait.ge @!p0 [sflag:s0], s1  }
0xf9: {  	s1 =	ssub.s32 @!p0 $0x0, s1;
	[sflag:s0] =	ssyncset.done @!p0 $0x0  }
0xfa: {  	[sflag:s0] =	ssyncadd.s32 @!p0 s1  }
0xfb: {  	[bflag:$0x3] =	sbarrier.arrive $0xFFFF  }
0xfc: {  	_ =	shalt  }

</sc_bundles>
